<compile_context>
chip_gen: v7x
topology: tpu7x:2x2x1
jax: 0.10.2.dev20260603
libtpu: 0.0.44.dev20260713+nightly
codegen_flags: <defaults>
</compile_context>

<pallas_src>
import jax
import jax.numpy as jnp
from jax import lax
from jax.experimental import pallas as pl
from jax.experimental.pallas import tpu as pltpu
from jax.experimental.pallas import tpu_sc as plsc

_B = 16384
_NUM_NUM = 13
_NUM_FIELDS = 26
_VOCAB = 100000
_EMB = 64
_H1 = 1024
_H2 = 512
_EPS = 1e-5

_NC = 2
_NS = 16
_NW = _NC * _NS
_TOT = _B * _NUM_FIELDS
_PERW = _TOT // _NW
_CH = 128
_NCH = _PERW // _CH
_NBUF = 8

_BLK = 512


def _gather_body(idx_hbm, tab_hbm, out_hbm, idx_v, rows_v, gsem):
  wid = lax.axis_index("s") * _NC + lax.axis_index("c")
  pltpu.sync_copy(idx_hbm.at[pl.ds(wid * _NCH, _NCH)], idx_v)
  base = wid * _PERW

  @pl.loop(0, _NCH, step=_NBUF)
  def _grp(g):
    descs = []
    for b in range(_NBUF):
      descs.append(
          pltpu.async_copy(tab_hbm.at[idx_v.at[g + b]], rows_v.at[b], gsem))
    for d in descs:
      d.wait()
    for b in range(_NBUF):
      pltpu.sync_copy(rows_v.at[b],
                      out_hbm.at[pl.ds(base + (g + b) * _CH, _CH)])


def _make_gather():
  mesh = plsc.VectorSubcoreMesh(
      core_axis_name="c", subcore_axis_name="s",
      num_cores=_NC, num_subcores=_NS)
  return pl.kernel(
      _gather_body,
      out_type=jax.ShapeDtypeStruct((_TOT, _EMB), jnp.float32),
      mesh=mesh,
      scratch_types=[
          pltpu.VMEM((_NCH, _CH), jnp.int32),
          pltpu.VMEM((_NBUF, _CH, _EMB), jnp.float32),
          pltpu.SemaphoreType.DMA,
      ],
      compiler_params=pltpu.CompilerParams(use_tc_tiling_on_sc=False),
  )


def _mlp_block(xn_ref, xe_ref, w1a_ref, w1b_ref, b1_ref, g1_ref, be1_ref,
               m1_ref, v1_ref, w2_ref, b2_ref, g2_ref, be2_ref, m2_ref,
               v2_ref, w3_ref, b3_ref, out_ref):
  s1 = g1_ref[...] * lax.rsqrt(v1_ref[...] + _EPS)
  t1 = be1_ref[...] - m1_ref[...] * s1
  s2 = g2_ref[...] * lax.rsqrt(v2_ref[...] + _EPS)
  t2 = be2_ref[...] - m2_ref[...] * s2

  h = jnp.dot(xn_ref[...], w1a_ref[...], preferred_element_type=jnp.float32)
  h = h + jnp.dot(xe_ref[...], w1b_ref[...],
                  preferred_element_type=jnp.float32)
  h = jnp.maximum(h + b1_ref[...], 0.0) * s1 + t1
  h = jnp.dot(h, w2_ref[...], preferred_element_type=jnp.float32)
  h = jnp.maximum(h + b2_ref[...], 0.0) * s2 + t2
  out_ref[...] = (
      jnp.dot(h, w3_ref[...], preferred_element_type=jnp.float32)
      + b3_ref[...])


def _mlp(x_num, embs, W1a, W1b, b1, g1, be1, m1, v1, W2, b2, g2, be2, m2,
         v2, W3, b3):
  grid = (_B // _BLK,)
  row = lambda i: (i, 0)
  rep = lambda i: (0, 0)
  return pl.pallas_call(
      _mlp_block,
      grid=grid,
      in_specs=[
          pl.BlockSpec((_BLK, _NUM_NUM), row),
          pl.BlockSpec((_BLK, _NUM_FIELDS * _EMB), row),
          pl.BlockSpec((_NUM_NUM, _H1), rep),
          pl.BlockSpec((_NUM_FIELDS * _EMB, _H1), rep),
          pl.BlockSpec((1, _H1), rep),
          pl.BlockSpec((1, _H1), rep),
          pl.BlockSpec((1, _H1), rep),
          pl.BlockSpec((1, _H1), rep),
          pl.BlockSpec((1, _H1), rep),
          pl.BlockSpec((_H1, _H2), rep),
          pl.BlockSpec((1, _H2), rep),
          pl.BlockSpec((1, _H2), rep),
          pl.BlockSpec((1, _H2), rep),
          pl.BlockSpec((1, _H2), rep),
          pl.BlockSpec((1, _H2), rep),
          pl.BlockSpec((_H2, 1), rep),
          pl.BlockSpec((1, 1), rep),
      ],
      out_specs=pl.BlockSpec((_BLK, 1), row),
      out_shape=jax.ShapeDtypeStruct((_B, 1), jnp.float32),
  )(x_num, embs, W1a, W1b, b1, g1, be1, m1, v1, W2, b2, g2, be2, m2, v2,
    W3, b3)


def kernel(x_num, x_cat, tables, W1, b1, g1, be1, m1, v1, W2, b2, g2, be2,
           m2, v2, W3, b3):
  tab_flat = tables.reshape(_NUM_FIELDS * _VOCAB, _EMB)
  offs = (jnp.arange(_NUM_FIELDS, dtype=jnp.int32) * _VOCAB)[None, :]
  idx2d = (x_cat + offs).reshape(_TOT // _CH, _CH)
  embs = _make_gather()(idx2d, tab_flat)
  embs = embs.reshape(_B, _NUM_FIELDS * _EMB)

  r = lambda a: a.reshape(1, -1)
  out = _mlp(x_num, embs, W1[:_NUM_NUM], W1[_NUM_NUM:], r(b1), r(g1),
             r(be1), r(m1), r(v1), W2, r(b2), r(g2), r(be2), r(m2), r(v2),
             W3, r(b3))
  return out[:, 0]

# --- scband reference (transcript-rebuilt; emitter-appended) ---
"""Pipeline reference for scband-tabular-nn-59270548684852 (READ-ONLY COPY).

The authoritative reference and input builder live on the scoring server;
editing this copy changes nothing except your own understanding.
"""

import jax, jax.numpy as jnp
import numpy as np

B = 16384
NUM_NUM = 13
NUM_FIELDS = 26
VOCAB = 100000
EMB = 64
H1 = 1024
H2 = 512
EPS = 1e-5
IN_DIM = NUM_NUM + NUM_FIELDS * EMB


def setup_inputs(seed: int = 0) -> dict:
    key = jax.random.key(seed)
    ks = jax.random.split(key, 8)
    x_num = jax.random.normal(ks[0], (B, NUM_NUM), dtype=jnp.float32)
    x_cat = jax.random.randint(ks[1], (B, NUM_FIELDS), 0, VOCAB, dtype=jnp.int32)
    # 26 embedding tables, all (VOCAB, EMB), stacked into one array
    tables = jax.random.normal(ks[2], (NUM_FIELDS, VOCAB, EMB), dtype=jnp.float32) * 0.01
    W1 = jax.random.normal(ks[3], (IN_DIM, H1), dtype=jnp.float32) * (1.0 / np.sqrt(IN_DIM))
    b1 = jnp.zeros((H1,), dtype=jnp.float32)
    g1 = jnp.ones((H1,), dtype=jnp.float32)
    be1 = jnp.zeros((H1,), dtype=jnp.float32)
    m1 = jnp.zeros((H1,), dtype=jnp.float32)
    v1 = jnp.ones((H1,), dtype=jnp.float32)
    W2 = jax.random.normal(ks[4], (H1, H2), dtype=jnp.float32) * (1.0 / np.sqrt(H1))
    b2 = jnp.zeros((H2,), dtype=jnp.float32)
    g2 = jnp.ones((H2,), dtype=jnp.float32)
    be2 = jnp.zeros((H2,), dtype=jnp.float32)
    m2 = jnp.zeros((H2,), dtype=jnp.float32)
    v2 = jnp.ones((H2,), dtype=jnp.float32)
    W3 = jax.random.normal(ks[5], (H2, 1), dtype=jnp.float32) * (1.0 / np.sqrt(H2))
    b3 = jnp.zeros((1,), dtype=jnp.float32)
    return {"x_num": x_num, "x_cat": x_cat, "tables": tables,
            "W1": W1, "b1": b1, "g1": g1, "be1": be1, "m1": m1, "v1": v1,
            "W2": W2, "b2": b2, "g2": g2, "be2": be2, "m2": m2, "v2": v2,
            "W3": W3, "b3": b3}


def reference(x_num, x_cat, tables, W1, b1, g1, be1, m1, v1, W2, b2, g2, be2, m2, v2, W3, b3):
    # per-field embedding lookup (SparseCore gather)
    embs = [tables[i][x_cat[:, i]] for i in range(NUM_FIELDS)]
    x = jnp.concatenate([x_num] + embs, axis=1)
    # Linear -> ReLU -> BatchNorm1d(eval, running stats) -> Dropout(eval = identity)
    h = x @ W1 + b1
    h = jax.nn.relu(h)
    h = (h - m1) / jnp.sqrt(v1 + EPS) * g1 + be1
    h = h @ W2 + b2
    h = jax.nn.relu(h)
    h = (h - m2) / jnp.sqrt(v2 + EPS) * g2 + be2
    logits = (h @ W3 + b3)[:, 0]
    return logits

if __name__ == "__main__":
    import jax
    _d = setup_inputs()
    print(jax.jit(kernel)(*tuple(_d.values())))

</pallas_src>

<mosaic_0001>
#map = affine_map<(d0, d1) -> (0, 0)>
module attributes {stable_mosaic.version = 14 : i64} {
  func.func @_gather_body(%arg0: i32, %arg1: i32, %arg2: memref<3328x128xi32, #tpu.memory_space<hbm>>, %arg3: memref<2600000x64xf32, #tpu.memory_space<hbm>>, %arg4: memref<425984x64xf32, #tpu.memory_space<hbm>>, %arg5: memref<104x128xi32, #tpu.memory_space<vmem>>, %arg6: memref<8x128x64xf32, #tpu.memory_space<vmem>>, %arg7: memref<!tpu.dma_semaphore, #tpu.memory_space<semaphore_mem>>) attributes {dimension_semantics = [#tpu.dimension_semantics<core_parallel>, #tpu.dimension_semantics<subcore_parallel>], iteration_bounds = array<i64: 2, 16>, scalar_prefetch = 0 : i64, scratch_operands = 3 : i64, tpu.core_type = #tpu.core_type<sc_vector_subcore>, window_params = [{transform_indices = #map}, {transform_indices = #map}, {transform_indices = #map}]} {
    %mul3A = arith.constant 2 : i32
    %mul3A_0 = arith.muli %arg1, %mul3A : i32
    %add3A = arith.addi %mul3A_0, %arg0 : i32
    %mul3A_1 = arith.constant 104 : i32
    %mul3A_2 = arith.muli %add3A, %mul3A_1 : i32
    "tpu.region"() ({
      %run_scoped3A = tpu.sem_alloc : memref<!tpu.dma_semaphore, #tpu.memory_space<semaphore_mem>>
      %dma_start3A = arith.constant 0 : i32
      %dma_start3A_9 = tpu.memref_slice %arg2[%mul3A_2, %dma_start3A] : memref<3328x128xi32, #tpu.memory_space<hbm>> -> memref<104x128xi32, #tpu.memory_space<hbm>>
      %dma_start3A_10 = arith.constant 0 : i32
      %dma_start3A_11 = tpu.memref_slice %arg2[%mul3A_2, %dma_start3A_10] : memref<3328x128xi32, #tpu.memory_space<hbm>> -> memref<104x128xi32, #tpu.memory_space<hbm>>
      tpu.enqueue_dma source(%dma_start3A_11 : memref<104x128xi32, #tpu.memory_space<hbm>>) target(%arg5 : memref<104x128xi32, #tpu.memory_space<vmem>>) target_semaphore(%run_scoped3A : memref<!tpu.dma_semaphore, #tpu.memory_space<semaphore_mem>>)
      %dma_wait3A = arith.constant 0 : i32
      %dma_wait3A_12 = tpu.memref_slice %arg2[%mul3A_2, %dma_wait3A] : memref<3328x128xi32, #tpu.memory_space<hbm>> -> memref<104x128xi32, #tpu.memory_space<hbm>>
      %dma_wait3A_13 = arith.constant 0 : i32
      %dma_wait3A_14 = tpu.memref_slice %arg2[%mul3A_2, %dma_wait3A_13] : memref<3328x128xi32, #tpu.memory_space<hbm>> -> memref<104x128xi32, #tpu.memory_space<hbm>>
      tpu.wait_dma2 semaphore(%run_scoped3A : memref<!tpu.dma_semaphore, #tpu.memory_space<semaphore_mem>>) src(%dma_wait3A_14 : memref<104x128xi32, #tpu.memory_space<hbm>>) dst(%arg5 : memref<104x128xi32, #tpu.memory_space<vmem>>)
      tpu.yield
    }) : () -> ()
    %mul3A_3 = arith.constant 13312 : i32
    %mul3A_4 = arith.muli %add3A, %mul3A_3 : i32
    %scan3A = arith.constant 0 : i32
    %scan3A_5 = arith.constant 13 : i32
    %scan3A_6 = arith.addi %scan3A, %scan3A_5 : i32
    %scan3A_7 = arith.constant 1 : i32
    scf.for %scan3A_9 = %scan3A to %scan3A_6 step %scan3A_7  : i32 {
      %mul3A_10 = arith.constant 8 : i32
      %mul3A_11 = arith.muli %scan3A_9, %mul3A_10 : i32
      %add3A_12 = arith.constant 0 : i32
      %add3A_13 = arith.addi %add3A_12, %mul3A_11 : i32
      %add3A_14 = arith.constant 0 : i32
      %add3A_15 = arith.addi %add3A_13, %add3A_14 : i32
      %dma_start3A = arith.constant 0 : i32
      %dma_start3A_16 = arith.constant 0 : i32
      %dma_start3A_17 = arith.constant 0 : i32
      %dma_start3A_18 = tpu.memref_slice %arg6[%dma_start3A, %dma_start3A_16, %dma_start3A_17] : memref<8x128x64xf32, #tpu.memory_space<vmem>> -> memref<1x128x64xf32, #tpu.memory_space<vmem>>
      %dma_start3A_19 = tpu.memref_squeeze %dma_start3A_18 : memref<1x128x64xf32, #tpu.memory_space<vmem>> -> memref<128x64xf32, #tpu.memory_space<vmem>>
      %dma_start3A_20 = arith.constant 0 : i32
      %dma_start3A_21 = tpu.memref_slice %arg5[%add3A_15, %dma_start3A_20] : memref<104x128xi32, #tpu.memory_space<vmem>> -> memref<1x128xi32, #tpu.memory_space<vmem>>
      %dma_start3A_22 = tpu.memref_squeeze %dma_start3A_21 : memref<1x128xi32, #tpu.memory_space<vmem>> -> memref<128xi32, #tpu.memory_space<vmem>>
      %dma_start3A_23 = arith.constant 0 : i32
      %dma_start3A_24 = arith.constant 0 : i32
      %dma_start3A_25 = tpu.memref_slice %arg3[%dma_start3A_23, %dma_start3A_24] : memref<2600000x64xf32, #tpu.memory_space<hbm>> -> memref<2600000x64xf32, #tpu.memory_space<hbm>>
      tpu.enqueue_indirect_dma source(%dma_start3A_25 : memref<2600000x64xf32, #tpu.memory_space<hbm>>) target(%dma_start3A_19 : memref<128x64xf32, #tpu.memory_space<vmem>>) offsets(%dma_start3A_22 : memref<128xi32, #tpu.memory_space<vmem>>) semaphore(%arg7 : memref<!tpu.dma_semaphore, #tpu.memory_space<semaphore_mem>>)
      %add3A_26 = arith.constant 1 : i32
      %add3A_27 = arith.addi %add3A_13, %add3A_26 : i32
      %dma_start3A_28 = arith.constant 1 : i32
      %dma_start3A_29 = arith.constant 0 : i32
      %dma_start3A_30 = arith.constant 0 : i32
      %dma_start3A_31 = tpu.memref_slice %arg6[%dma_start3A_28, %dma_start3A_29, %dma_start3A_30] : memref<8x128x64xf32, #tpu.memory_space<vmem>> -> memref<1x128x64xf32, #tpu.memory_space<vmem>>
      %dma_start3A_32 = tpu.memref_squeeze %dma_start3A_31 : memref<1x128x64xf32, #tpu.memory_space<vmem>> -> memref<128x64xf32, #tpu.memory_space<vmem>>
      %dma_start3A_33 = arith.constant 0 : i32
      %dma_start3A_34 = tpu.memref_slice %arg5[%add3A_27, %dma_start3A_33] : memref<104x128xi32, #tpu.memory_space<vmem>> -> memref<1x128xi32, #tpu.memory_space<vmem>>
      %dma_start3A_35 = tpu.memref_squeeze %dma_start3A_34 : memref<1x128xi32, #tpu.memory_space<vmem>> -> memref<128xi32, #tpu.memory_space<vmem>>
      %dma_start3A_36 = arith.constant 0 : i32
      %dma_start3A_37 = arith.constant 0 : i32
      %dma_start3A_38 = tpu.memref_slice %arg3[%dma_start3A_36, %dma_start3A_37] : memref<2600000x64xf32, #tpu.memory_space<hbm>> -> memref<2600000x64xf32, #tpu.memory_space<hbm>>
      tpu.enqueue_indirect_dma source(%dma_start3A_38 : memref<2600000x64xf32, #tpu.memory_space<hbm>>) target(%dma_start3A_32 : memref<128x64xf32, #tpu.memory_space<vmem>>) offsets(%dma_start3A_35 : memref<128xi32, #tpu.memory_space<vmem>>) semaphore(%arg7 : memref<!tpu.dma_semaphore, #tpu.memory_space<semaphore_mem>>)
      %add3A_39 = arith.constant 2 : i32
      %add3A_40 = arith.addi %add3A_13, %add3A_39 : i32
      %dma_start3A_41 = arith.constant 2 : i32
      %dma_start3A_42 = arith.constant 0 : i32
      %dma_start3A_43 = arith.constant 0 : i32
      %dma_start3A_44 = tpu.memref_slice %arg6[%dma_start3A_41, %dma_start3A_42, %dma_start3A_43] : memref<8x128x64xf32, #tpu.memory_space<vmem>> -> memref<1x128x64xf32, #tpu.memory_space<vmem>>
      %dma_start3A_45 = tpu.memref_squeeze %dma_start3A_44 : memref<1x128x64xf32, #tpu.memory_space<vmem>> -> memref<128x64xf32, #tpu.memory_space<vmem>>
      %dma_start3A_46 = arith.constant 0 : i32
      %dma_start3A_47 = tpu.memref_slice %arg5[%add3A_40, %dma_start3A_46] : memref<104x128xi32, #tpu.memory_space<vmem>> -> memref<1x128xi32, #tpu.memory_space<vmem>>
      %dma_start3A_48 = tpu.memref_squeeze %dma_start3A_47 : memref<1x128xi32, #tpu.memory_space<vmem>> -> memref<128xi32, #tpu.memory_space<vmem>>
      %dma_start3A_49 = arith.constant 0 : i32
      %dma_start3A_50 = arith.constant 0 : i32
      %dma_start3A_51 = tpu.memref_slice %arg3[%dma_start3A_49, %dma_start3A_50] : memref<2600000x64xf32, #tpu.memory_space<hbm>> -> memref<2600000x64xf32, #tpu.memory_space<hbm>>
      tpu.enqueue_indirect_dma source(%dma_start3A_51 : memref<2600000x64xf32, #tpu.memory_space<hbm>>) target(%dma_start3A_45 : memref<128x64xf32, #tpu.memory_space<vmem>>) offsets(%dma_start3A_48 : memref<128xi32, #tpu.memory_space<vmem>>) semaphore(%arg7 : memref<!tpu.dma_semaphore, #tpu.memory_space<semaphore_mem>>)
      %add3A_52 = arith.constant 3 : i32
      %add3A_53 = arith.addi %add3A_13, %add3A_52 : i32
      %dma_start3A_54 = arith.constant 3 : i32
      %dma_start3A_55 = arith.constant 0 : i32
      %dma_start3A_56 = arith.constant 0 : i32
      %dma_start3A_57 = tpu.memref_slice %arg6[%dma_start3A_54, %dma_start3A_55, %dma_start3A_56] : memref<8x128x64xf32, #tpu.memory_space<vmem>> -> memref<1x128x64xf32, #tpu.memory_space<vmem>>
      %dma_start3A_58 = tpu.memref_squeeze %dma_start3A_57 : memref<1x128x64xf32, #tpu.memory_space<vmem>> -> memref<128x64xf32, #tpu.memory_space<vmem>>
      %dma_start3A_59 = arith.constant 0 : i32
      %dma_start3A_60 = tpu.memref_slice %arg5[%add3A_53, %dma_start3A_59] : memref<104x128xi32, #tpu.memory_space<vmem>> -> memref<1x128xi32, #tpu.memory_space<vmem>>
      %dma_start3A_61 = tpu.memref_squeeze %dma_start3A_60 : memref<1x128xi32, #tpu.memory_space<vmem>> -> memref<128xi32, #tpu.memory_space<vmem>>
      %dma_start3A_62 = arith.constant 0 : i32
      %dma_start3A_63 = arith.constant 0 : i32
      %dma_start3A_64 = tpu.memref_slice %arg3[%dma_start3A_62, %dma_start3A_63] : memref<2600000x64xf32, #tpu.memory_space<hbm>> -> memref<2600000x64xf32, #tpu.memory_space<hbm>>
      tpu.enqueue_indirect_dma source(%dma_start3A_64 : memref<2600000x64xf32, #tpu.memory_space<hbm>>) target(%dma_start3A_58 : memref<128x64xf32, #tpu.memory_space<vmem>>) offsets(%dma_start3A_61 : memref<128xi32, #tpu.memory_space<vmem>>) semaphore(%arg7 : memref<!tpu.dma_semaphore, #tpu.memory_space<semaphore_mem>>)
      %add3A_65 = arith.constant 4 : i32
      %add3A_66 = arith.addi %add3A_13, %add3A_65 : i32
      %dma_start3A_67 = arith.constant 4 : i32
      %dma_start3A_68 = arith.constant 0 : i32
      %dma_start3A_69 = arith.constant 0 : i32
      %dma_start3A_70 = tpu.memref_slice %arg6[%dma_start3A_67, %dma_start3A_68, %dma_start3A_69] : memref<8x128x64xf32, #tpu.memory_space<vmem>> -> memref<1x128x64xf32, #tpu.memory_space<vmem>>
      %dma_start3A_71 = tpu.memref_squeeze %dma_start3A_70 : memref<1x128x64xf32, #tpu.memory_space<vmem>> -> memref<128x64xf32, #tpu.memory_space<vmem>>
      %dma_start3A_72 = arith.constant 0 : i32
      %dma_start3A_73 = tpu.memref_slice %arg5[%add3A_66, %dma_start3A_72] : memref<104x128xi32, #tpu.memory_space<vmem>> -> memref<1x128xi32, #tpu.memory_space<vmem>>
      %dma_start3A_74 = tpu.memref_squeeze %dma_start3A_73 : memref<1x128xi32, #tpu.memory_space<vmem>> -> memref<128xi32, #tpu.memory_space<vmem>>
      %dma_start3A_75 = arith.constant 0 : i32
      %dma_start3A_76 = arith.constant 0 : i32
      %dma_start3A_77 = tpu.memref_slice %arg3[%dma_start3A_75, %dma_start3A_76] : memref<2600000x64xf32, #tpu.memory_space<hbm>> -> memref<2600000x64xf32, #tpu.memory_space<hbm>>
      tpu.enqueue_indirect_dma source(%dma_start3A_77 : memref<2600000x64xf32, #tpu.memory_space<hbm>>) target(%dma_start3A_71 : memref<128x64xf32, #tpu.memory_space<vmem>>) offsets(%dma_start3A_74 : memref<128xi32, #tpu.memory_space<vmem>>) semaphore(%arg7 : memref<!tpu.dma_semaphore, #tpu.memory_space<semaphore_mem>>)
      %add3A_78 = arith.constant 5 : i32
      %add3A_79 = arith.addi %add3A_13, %add3A_78 : i32
      %dma_start3A_80 = arith.constant 5 : i32
      %dma_start3A_81 = arith.constant 0 : i32
      %dma_start3A_82 = arith.constant 0 : i32
      %dma_start3A_83 = tpu.memref_slice %arg6[%dma_start3A_80, %dma_start3A_81, %dma_start3A_82] : memref<8x128x64xf32, #tpu.memory_space<vmem>> -> memref<1x128x64xf32, #tpu.memory_space<vmem>>
      %dma_start3A_84 = tpu.memref_squeeze %dma_start3A_83 : memref<1x128x64xf32, #tpu.memory_space<vmem>> -> memref<128x64xf32, #tpu.memory_space<vmem>>
      %dma_start3A_85 = arith.constant 0 : i32
      %dma_start3A_86 = tpu.memref_slice %arg5[%add3A_79, %dma_start3A_85] : memref<104x128xi32, #tpu.memory_space<vmem>> -> memref<1x128xi32, #tpu.memory_space<vmem>>
      %dma_start3A_87 = tpu.memref_squeeze %dma_start3A_86 : memref<1x128xi32, #tpu.memory_space<vmem>> -> memref<128xi32, #tpu.memory_space<vmem>>
      %dma_start3A_88 = arith.constant 0 : i32
      %dma_start3A_89 = arith.constant 0 : i32
      %dma_start3A_90 = tpu.memref_slice %arg3[%dma_start3A_88, %dma_start3A_89] : memref<2600000x64xf32, #tpu.memory_space<hbm>> -> memref<2600000x64xf32, #tpu.memory_space<hbm>>
      tpu.enqueue_indirect_dma source(%dma_start3A_90 : memref<2600000x64xf32, #tpu.memory_space<hbm>>) target(%dma_start3A_84 : memref<128x64xf32, #tpu.memory_space<vmem>>) offsets(%dma_start3A_87 : memref<128xi32, #tpu.memory_space<vmem>>) semaphore(%arg7 : memref<!tpu.dma_semaphore, #tpu.memory_space<semaphore_mem>>)
      %add3A_91 = arith.constant 6 : i32
      %add3A_92 = arith.addi %add3A_13, %add3A_91 : i32
      %dma_start3A_93 = arith.constant 6 : i32
      %dma_start3A_94 = arith.constant 0 : i32
      %dma_start3A_95 = arith.constant 0 : i32
      %dma_start3A_96 = tpu.memref_slice %arg6[%dma_start3A_93, %dma_start3A_94, %dma_start3A_95] : memref<8x128x64xf32, #tpu.memory_space<vmem>> -> memref<1x128x64xf32, #tpu.memory_space<vmem>>
      %dma_start3A_97 = tpu.memref_squeeze %dma_start3A_96 : memref<1x128x64xf32, #tpu.memory_space<vmem>> -> memref<128x64xf32, #tpu.memory_space<vmem>>
      %dma_start3A_98 = arith.constant 0 : i32
      %dma_start3A_99 = tpu.memref_slice %arg5[%add3A_92, %dma_start3A_98] : memref<104x128xi32, #tpu.memory_space<vmem>> -> memref<1x128xi32, #tpu.memory_space<vmem>>
      %dma_start3A_100 = tpu.memref_squeeze %dma_start3A_99 : memref<1x128xi32, #tpu.memory_space<vmem>> -> memref<128xi32, #tpu.memory_space<vmem>>
      %dma_start3A_101 = arith.constant 0 : i32
      %dma_start3A_102 = arith.constant 0 : i32
      %dma_start3A_103 = tpu.memref_slice %arg3[%dma_start3A_101, %dma_start3A_102] : memref<2600000x64xf32, #tpu.memory_space<hbm>> -> memref<2600000x64xf32, #tpu.memory_space<hbm>>
      tpu.enqueue_indirect_dma source(%dma_start3A_103 : memref<2600000x64xf32, #tpu.memory_space<hbm>>) target(%dma_start3A_97 : memref<128x64xf32, #tpu.memory_space<vmem>>) offsets(%dma_start3A_100 : memref<128xi32, #tpu.memory_space<vmem>>) semaphore(%arg7 : memref<!tpu.dma_semaphore, #tpu.memory_space<semaphore_mem>>)
      %add3A_104 = arith.constant 7 : i32
      %add3A_105 = arith.addi %add3A_13, %add3A_104 : i32
      %dma_start3A_106 = arith.constant 7 : i32
      %dma_start3A_107 = arith.constant 0 : i32
      %dma_start3A_108 = arith.constant 0 : i32
      %dma_start3A_109 = tpu.memref_slice %arg6[%dma_start3A_106, %dma_start3A_107, %dma_start3A_108] : memref<8x128x64xf32, #tpu.memory_space<vmem>> -> memref<1x128x64xf32, #tpu.memory_space<vmem>>
      %dma_start3A_110 = tpu.memref_squeeze %dma_start3A_109 : memref<1x128x64xf32, #tpu.memory_space<vmem>> -> memref<128x64xf32, #tpu.memory_space<vmem>>
      %dma_start3A_111 = arith.constant 0 : i32
      %dma_start3A_112 = tpu.memref_slice %arg5[%add3A_105, %dma_start3A_111] : memref<104x128xi32, #tpu.memory_space<vmem>> -> memref<1x128xi32, #tpu.memory_space<vmem>>
      %dma_start3A_113 = tpu.memref_squeeze %dma_start3A_112 : memref<1x128xi32, #tpu.memory_space<vmem>> -> memref<128xi32, #tpu.memory_space<vmem>>
      %dma_start3A_114 = arith.constant 0 : i32
      %dma_start3A_115 = arith.constant 0 : i32
      %dma_start3A_116 = tpu.memref_slice %arg3[%dma_start3A_114, %dma_start3A_115] : memref<2600000x64xf32, #tpu.memory_space<hbm>> -> memref<2600000x64xf32, #tpu.memory_space<hbm>>
      tpu.enqueue_indirect_dma source(%dma_start3A_116 : memref<2600000x64xf32, #tpu.memory_space<hbm>>) target(%dma_start3A_110 : memref<128x64xf32, #tpu.memory_space<vmem>>) offsets(%dma_start3A_113 : memref<128xi32, #tpu.memory_space<vmem>>) semaphore(%arg7 : memref<!tpu.dma_semaphore, #tpu.memory_space<semaphore_mem>>)
      %dma_wait3A = arith.constant 0 : i32
      %dma_wait3A_117 = arith.constant 0 : i32
      %dma_wait3A_118 = arith.constant 0 : i32
      %dma_wait3A_119 = tpu.memref_slice %arg6[%dma_wait3A, %dma_wait3A_117, %dma_wait3A_118] : memref<8x128x64xf32, #tpu.memory_space<vmem>> -> memref<1x128x64xf32, #tpu.memory_space<vmem>>
      %dma_wait3A_120 = tpu.memref_squeeze %dma_wait3A_119 : memref<1x128x64xf32, #tpu.memory_space<vmem>> -> memref<128x64xf32, #tpu.memory_space<vmem>>
      %dma_wait3A_121 = arith.constant 0 : i32
      %dma_wait3A_122 = tpu.memref_slice %arg5[%add3A_15, %dma_wait3A_121] : memref<104x128xi32, #tpu.memory_space<vmem>> -> memref<1x128xi32, #tpu.memory_space<vmem>>
      %dma_wait3A_123 = tpu.memref_squeeze %dma_wait3A_122 : memref<1x128xi32, #tpu.memory_space<vmem>> -> memref<128xi32, #tpu.memory_space<vmem>>
      %dma_wait3A_124 = arith.constant 0 : i32
      %dma_wait3A_125 = arith.constant 0 : i32
      %dma_wait3A_126 = tpu.memref_slice %arg3[%dma_wait3A_124, %dma_wait3A_125] : memref<2600000x64xf32, #tpu.memory_space<hbm>> -> memref<2600000x64xf32, #tpu.memory_space<hbm>>
      tpu.wait_indirect_dma semaphore(%arg7 : memref<!tpu.dma_semaphore, #tpu.memory_space<semaphore_mem>>) src(%dma_wait3A_126 : memref<2600000x64xf32, #tpu.memory_space<hbm>>) dst(%dma_wait3A_120 : memref<128x64xf32, #tpu.memory_space<vmem>>)
      %dma_wait3A_127 = arith.constant 1 : i32
      %dma_wait3A_128 = arith.constant 0 : i32
      %dma_wait3A_129 = arith.constant 0 : i32
      %dma_wait3A_130 = tpu.memref_slice %arg6[%dma_wait3A_127, %dma_wait3A_128, %dma_wait3A_129] : memref<8x128x64xf32, #tpu.memory_space<vmem>> -> memref<1x128x64xf32, #tpu.memory_space<vmem>>
      %dma_wait3A_131 = tpu.memref_squeeze %dma_wait3A_130 : memref<1x128x64xf32, #tpu.memory_space<vmem>> -> memref<128x64xf32, #tpu.memory_space<vmem>>
      %dma_wait3A_132 = arith.constant 0 : i32
      %dma_wait3A_133 = tpu.memref_slice %arg5[%add3A_27, %dma_wait3A_132] : memref<104x128xi32, #tpu.memory_space<vmem>> -> memref<1x128xi32, #tpu.memory_space<vmem>>
      %dma_wait3A_134 = tpu.memref_squeeze %dma_wait3A_133 : memref<1x128xi32, #tpu.memory_space<vmem>> -> memref<128xi32, #tpu.memory_space<vmem>>
      %dma_wait3A_135 = arith.constant 0 : i32
      %dma_wait3A_136 = arith.constant 0 : i32
      %dma_wait3A_137 = tpu.memref_slice %arg3[%dma_wait3A_135, %dma_wait3A_136] : memref<2600000x64xf32, #tpu.memory_space<hbm>> -> memref<2600000x64xf32, #tpu.memory_space<hbm>>
      tpu.wait_indirect_dma semaphore(%arg7 : memref<!tpu.dma_semaphore, #tpu.memory_space<semaphore_mem>>) src(%dma_wait3A_137 : memref<2600000x64xf32, #tpu.memory_space<hbm>>) dst(%dma_wait3A_131 : memref<128x64xf32, #tpu.memory_space<vmem>>)
      %dma_wait3A_138 = arith.constant 2 : i32
      %dma_wait3A_139 = arith.constant 0 : i32
      %dma_wait3A_140 = arith.constant 0 : i32
      %dma_wait3A_141 = tpu.memref_slice %arg6[%dma_wait3A_138, %dma_wait3A_139, %dma_wait3A_140] : memref<8x128x64xf32, #tpu.memory_space<vmem>> -> memref<1x128x64xf32, #tpu.memory_space<vmem>>
      %dma_wait3A_142 = tpu.memref_squeeze %dma_wait3A_141 : memref<1x128x64xf32, #tpu.memory_space<vmem>> -> memref<128x64xf32, #tpu.memory_space<vmem>>
      %dma_wait3A_143 = arith.constant 0 : i32
      %dma_wait3A_144 = tpu.memref_slice %arg5[%add3A_40, %dma_wait3A_143] : memref<104x128xi32, #tpu.memory_space<vmem>> -> memref<1x128xi32, #tpu.memory_space<vmem>>
      %dma_wait3A_145 = tpu.memref_squeeze %dma_wait3A_144 : memref<1x128xi32, #tpu.memory_space<vmem>> -> memref<128xi32, #tpu.memory_space<vmem>>
      %dma_wait3A_146 = arith.constant 0 : i32
      %dma_wait3A_147 = arith.constant 0 : i32
      %dma_wait3A_148 = tpu.memref_slice %arg3[%dma_wait3A_146, %dma_wait3A_147] : memref<2600000x64xf32, #tpu.memory_space<hbm>> -> memref<2600000x64xf32, #tpu.memory_space<hbm>>
      tpu.wait_indirect_dma semaphore(%arg7 : memref<!tpu.dma_semaphore, #tpu.memory_space<semaphore_mem>>) src(%dma_wait3A_148 : memref<2600000x64xf32, #tpu.memory_space<hbm>>) dst(%dma_wait3A_142 : memref<128x64xf32, #tpu.memory_space<vmem>>)
      %dma_wait3A_149 = arith.constant 3 : i32
      %dma_wait3A_150 = arith.constant 0 : i32
      %dma_wait3A_151 = arith.constant 0 : i32
      %dma_wait3A_152 = tpu.memref_slice %arg6[%dma_wait3A_149, %dma_wait3A_150, %dma_wait3A_151] : memref<8x128x64xf32, #tpu.memory_space<vmem>> -> memref<1x128x64xf32, #tpu.memory_space<vmem>>
      %dma_wait3A_153 = tpu.memref_squeeze %dma_wait3A_152 : memref<1x128x64xf32, #tpu.memory_space<vmem>> -> memref<128x64xf32, #tpu.memory_space<vmem>>
      %dma_wait3A_154 = arith.constant 0 : i32
      %dma_wait3A_155 = tpu.memref_slice %arg5[%add3A_53, %dma_wait3A_154] : memref<104x128xi32, #tpu.memory_space<vmem>> -> memref<1x128xi32, #tpu.memory_space<vmem>>
      %dma_wait3A_156 = tpu.memref_squeeze %dma_wait3A_155 : memref<1x128xi32, #tpu.memory_space<vmem>> -> memref<128xi32, #tpu.memory_space<vmem>>
      %dma_wait3A_157 = arith.constant 0 : i32
      %dma_wait3A_158 = arith.constant 0 : i32
      %dma_wait3A_159 = tpu.memref_slice %arg3[%dma_wait3A_157, %dma_wait3A_158] : memref<2600000x64xf32, #tpu.memory_space<hbm>> -> memref<2600000x64xf32, #tpu.memory_space<hbm>>
      tpu.wait_indirect_dma semaphore(%arg7 : memref<!tpu.dma_semaphore, #tpu.memory_space<semaphore_mem>>) src(%dma_wait3A_159 : memref<2600000x64xf32, #tpu.memory_space<hbm>>) dst(%dma_wait3A_153 : memref<128x64xf32, #tpu.memory_space<vmem>>)
      %dma_wait3A_160 = arith.constant 4 : i32
      %dma_wait3A_161 = arith.constant 0 : i32
      %dma_wait3A_162 = arith.constant 0 : i32
      %dma_wait3A_163 = tpu.memref_slice %arg6[%dma_wait3A_160, %dma_wait3A_161, %dma_wait3A_162] : memref<8x128x64xf32, #tpu.memory_space<vmem>> -> memref<1x128x64xf32, #tpu.memory_space<vmem>>
      %dma_wait3A_164 = tpu.memref_squeeze %dma_wait3A_163 : memref<1x128x64xf32, #tpu.memory_space<vmem>> -> memref<128x64xf32, #tpu.memory_space<vmem>>
      %dma_wait3A_165 = arith.constant 0 : i32
      %dma_wait3A_166 = tpu.memref_slice %arg5[%add3A_66, %dma_wait3A_165] : memref<104x128xi32, #tpu.memory_space<vmem>> -> memref<1x128xi32, #tpu.memory_space<vmem>>
      %dma_wait3A_167 = tpu.memref_squeeze %dma_wait3A_166 : memref<1x128xi32, #tpu.memory_space<vmem>> -> memref<128xi32, #tpu.memory_space<vmem>>
      %dma_wait3A_168 = arith.constant 0 : i32
      %dma_wait3A_169 = arith.constant 0 : i32
      %dma_wait3A_170 = tpu.memref_slice %arg3[%dma_wait3A_168, %dma_wait3A_169] : memref<2600000x64xf32, #tpu.memory_space<hbm>> -> memref<2600000x64xf32, #tpu.memory_space<hbm>>
      tpu.wait_indirect_dma semaphore(%arg7 : memref<!tpu.dma_semaphore, #tpu.memory_space<semaphore_mem>>) src(%dma_wait3A_170 : memref<2600000x64xf32, #tpu.memory_space<hbm>>) dst(%dma_wait3A_164 : memref<128x64xf32, #tpu.memory_space<vmem>>)
      %dma_wait3A_171 = arith.constant 5 : i32
      %dma_wait3A_172 = arith.constant 0 : i32
      %dma_wait3A_173 = arith.constant 0 : i32
      %dma_wait3A_174 = tpu.memref_slice %arg6[%dma_wait3A_171, %dma_wait3A_172, %dma_wait3A_173] : memref<8x128x64xf32, #tpu.memory_space<vmem>> -> memref<1x128x64xf32, #tpu.memory_space<vmem>>
      %dma_wait3A_175 = tpu.memref_squeeze %dma_wait3A_174 : memref<1x128x64xf32, #tpu.memory_space<vmem>> -> memref<128x64xf32, #tpu.memory_space<vmem>>
      %dma_wait3A_176 = arith.constant 0 : i32
      %dma_wait3A_177 = tpu.memref_slice %arg5[%add3A_79, %dma_wait3A_176] : memref<104x128xi32, #tpu.memory_space<vmem>> -> memref<1x128xi32, #tpu.memory_space<vmem>>
      %dma_wait3A_178 = tpu.memref_squeeze %dma_wait3A_177 : memref<1x128xi32, #tpu.memory_space<vmem>> -> memref<128xi32, #tpu.memory_space<vmem>>
      %dma_wait3A_179 = arith.constant 0 : i32
      %dma_wait3A_180 = arith.constant 0 : i32
      %dma_wait3A_181 = tpu.memref_slice %arg3[%dma_wait3A_179, %dma_wait3A_180] : memref<2600000x64xf32, #tpu.memory_space<hbm>> -> memref<2600000x64xf32, #tpu.memory_space<hbm>>
      tpu.wait_indirect_dma semaphore(%arg7 : memref<!tpu.dma_semaphore, #tpu.memory_space<semaphore_mem>>) src(%dma_wait3A_181 : memref<2600000x64xf32, #tpu.memory_space<hbm>>) dst(%dma_wait3A_175 : memref<128x64xf32, #tpu.memory_space<vmem>>)
      %dma_wait3A_182 = arith.constant 6 : i32
      %dma_wait3A_183 = arith.constant 0 : i32
      %dma_wait3A_184 = arith.constant 0 : i32
      %dma_wait3A_185 = tpu.memref_slice %arg6[%dma_wait3A_182, %dma_wait3A_183, %dma_wait3A_184] : memref<8x128x64xf32, #tpu.memory_space<vmem>> -> memref<1x128x64xf32, #tpu.memory_space<vmem>>
      %dma_wait3A_186 = tpu.memref_squeeze %dma_wait3A_185 : memref<1x128x64xf32, #tpu.memory_space<vmem>> -> memref<128x64xf32, #tpu.memory_space<vmem>>
      %dma_wait3A_187 = arith.constant 0 : i32
      %dma_wait3A_188 = tpu.memref_slice %arg5[%add3A_92, %dma_wait3A_187] : memref<104x128xi32, #tpu.memory_space<vmem>> -> memref<1x128xi32, #tpu.memory_space<vmem>>
      %dma_wait3A_189 = tpu.memref_squeeze %dma_wait3A_188 : memref<1x128xi32, #tpu.memory_space<vmem>> -> memref<128xi32, #tpu.memory_space<vmem>>
      %dma_wait3A_190 = arith.constant 0 : i32
      %dma_wait3A_191 = arith.constant 0 : i32
      %dma_wait3A_192 = tpu.memref_slice %arg3[%dma_wait3A_190, %dma_wait3A_191] : memref<2600000x64xf32, #tpu.memory_space<hbm>> -> memref<2600000x64xf32, #tpu.memory_space<hbm>>
      tpu.wait_indirect_dma semaphore(%arg7 : memref<!tpu.dma_semaphore, #tpu.memory_space<semaphore_mem>>) src(%dma_wait3A_192 : memref<2600000x64xf32, #tpu.memory_space<hbm>>) dst(%dma_wait3A_186 : memref<128x64xf32, #tpu.memory_space<vmem>>)
      %dma_wait3A_193 = arith.constant 7 : i32
      %dma_wait3A_194 = arith.constant 0 : i32
      %dma_wait3A_195 = arith.constant 0 : i32
      %dma_wait3A_196 = tpu.memref_slice %arg6[%dma_wait3A_193, %dma_wait3A_194, %dma_wait3A_195] : memref<8x128x64xf32, #tpu.memory_space<vmem>> -> memref<1x128x64xf32, #tpu.memory_space<vmem>>
      %dma_wait3A_197 = tpu.memref_squeeze %dma_wait3A_196 : memref<1x128x64xf32, #tpu.memory_space<vmem>> -> memref<128x64xf32, #tpu.memory_space<vmem>>
      %dma_wait3A_198 = arith.constant 0 : i32
      %dma_wait3A_199 = tpu.memref_slice %arg5[%add3A_105, %dma_wait3A_198] : memref<104x128xi32, #tpu.memory_space<vmem>> -> memref<1x128xi32, #tpu.memory_space<vmem>>
      %dma_wait3A_200 = tpu.memref_squeeze %dma_wait3A_199 : memref<1x128xi32, #tpu.memory_space<vmem>> -> memref<128xi32, #tpu.memory_space<vmem>>
      %dma_wait3A_201 = arith.constant 0 : i32
      %dma_wait3A_202 = arith.constant 0 : i32
      %dma_wait3A_203 = tpu.memref_slice %arg3[%dma_wait3A_201, %dma_wait3A_202] : memref<2600000x64xf32, #tpu.memory_space<hbm>> -> memref<2600000x64xf32, #tpu.memory_space<hbm>>
      tpu.wait_indirect_dma semaphore(%arg7 : memref<!tpu.dma_semaphore, #tpu.memory_space<semaphore_mem>>) src(%dma_wait3A_203 : memref<2600000x64xf32, #tpu.memory_space<hbm>>) dst(%dma_wait3A_197 : memref<128x64xf32, #tpu.memory_space<vmem>>)
      %add3A_204 = arith.constant 0 : i32
      %add3A_205 = arith.addi %add3A_13, %add3A_204 : i32
      %mul3A_206 = arith.constant 128 : i32
      %mul3A_207 = arith.muli %add3A_205, %mul3A_206 : i32
      %add3A_208 = arith.addi %mul3A_4, %mul3A_207 : i32
      %run_scoped3A = arith.constant 0 : i32
      "tpu.region"() ({
        %run_scoped3A_251 = tpu.sem_alloc : memref<!tpu.dma_semaphore, #tpu.memory_space<semaphore_mem>>
        %dma_start3A_252 = arith.constant 0 : i32
        %dma_start3A_253 = arith.constant 0 : i32
        %dma_start3A_254 = tpu.memref_slice %arg6[%run_scoped3A, %dma_start3A_252, %dma_start3A_253] : memref<8x128x64xf32, #tpu.memory_space<vmem>> -> memref<1x128x64xf32, #tpu.memory_space<vmem>>
        %dma_start3A_255 = tpu.memref_squeeze %dma_start3A_254 : memref<1x128x64xf32, #tpu.memory_space<vmem>> -> memref<128x64xf32, #tpu.memory_space<vmem>>
        %dma_start3A_256 = arith.constant 0 : i32
        %dma_start3A_257 = tpu.memref_slice %arg4[%add3A_208, %dma_start3A_256] : memref<425984x64xf32, #tpu.memory_space<hbm>> -> memref<128x64xf32, #tpu.memory_space<hbm>>
        %dma_start3A_258 = arith.constant 0 : i32
        %dma_start3A_259 = tpu.memref_slice %arg4[%add3A_208, %dma_start3A_258] : memref<425984x64xf32, #tpu.memory_space<hbm>> -> memref<128x64xf32, #tpu.memory_space<hbm>>
        %dma_start3A_260 = arith.constant 0 : i32
        %dma_start3A_261 = arith.constant 0 : i32
        %dma_start3A_262 = tpu.memref_slice %arg6[%run_scoped3A, %dma_start3A_260, %dma_start3A_261] : memref<8x128x64xf32, #tpu.memory_space<vmem>> -> memref<1x128x64xf32, #tpu.memory_space<vmem>>
        %dma_start3A_263 = tpu.memref_squeeze %dma_start3A_262 : memref<1x128x64xf32, #tpu.memory_space<vmem>> -> memref<128x64xf32, #tpu.memory_space<vmem>>
        tpu.enqueue_dma source(%dma_start3A_263 : memref<128x64xf32, #tpu.memory_space<vmem>>) target(%dma_start3A_259 : memref<128x64xf32, #tpu.memory_space<hbm>>) target_semaphore(%run_scoped3A_251 : memref<!tpu.dma_semaphore, #tpu.memory_space<semaphore_mem>>)
        %dma_wait3A_264 = arith.constant 0 : i32
        %dma_wait3A_265 = arith.constant 0 : i32
        %dma_wait3A_266 = tpu.memref_slice %arg6[%run_scoped3A, %dma_wait3A_264, %dma_wait3A_265] : memref<8x128x64xf32, #tpu.memory_space<vmem>> -> memref<1x128x64xf32, #tpu.memory_space<vmem>>
        %dma_wait3A_267 = tpu.memref_squeeze %dma_wait3A_266 : memref<1x128x64xf32, #tpu.memory_space<vmem>> -> memref<128x64xf32, #tpu.memory_space<vmem>>
        %dma_wait3A_268 = arith.constant 0 : i32
        %dma_wait3A_269 = tpu.memref_slice %arg4[%add3A_208, %dma_wait3A_268] : memref<425984x64xf32, #tpu.memory_space<hbm>> -> memref<128x64xf32, #tpu.memory_space<hbm>>
        %dma_wait3A_270 = arith.constant 0 : i32
        %dma_wait3A_271 = tpu.memref_slice %arg4[%add3A_208, %dma_wait3A_270] : memref<425984x64xf32, #tpu.memory_space<hbm>> -> memref<128x64xf32, #tpu.memory_space<hbm>>
        %dma_wait3A_272 = arith.constant 0 : i32
        %dma_wait3A_273 = arith.constant 0 : i32
        %dma_wait3A_274 = tpu.memref_slice %arg6[%run_scoped3A, %dma_wait3A_272, %dma_wait3A_273] : memref<8x128x64xf32, #tpu.memory_space<vmem>> -> memref<1x128x64xf32, #tpu.memory_space<vmem>>
        %dma_wait3A_275 = tpu.memref_squeeze %dma_wait3A_274 : memref<1x128x64xf32, #tpu.memory_space<vmem>> -> memref<128x64xf32, #tpu.memory_space<vmem>>
        tpu.wait_dma2 semaphore(%run_scoped3A_251 : memref<!tpu.dma_semaphore, #tpu.memory_space<semaphore_mem>>) src(%dma_wait3A_275 : memref<128x64xf32, #tpu.memory_space<vmem>>) dst(%dma_wait3A_271 : memref<128x64xf32, #tpu.memory_space<hbm>>)
        tpu.yield
      }) : () -> ()
      %add3A_209 = arith.constant 1 : i32
      %add3A_210 = arith.addi %add3A_13, %add3A_209 : i32
      %mul3A_211 = arith.constant 128 : i32
      %mul3A_212 = arith.muli %add3A_210, %mul3A_211 : i32
      %add3A_213 = arith.addi %mul3A_4, %mul3A_212 : i32
      %run_scoped3A_214 = arith.constant 1 : i32
      "tpu.region"() ({
        %run_scoped3A_251 = tpu.sem_alloc : memref<!tpu.dma_semaphore, #tpu.memory_space<semaphore_mem>>
        %dma_start3A_252 = arith.constant 0 : i32
        %dma_start3A_253 = arith.constant 0 : i32
        %dma_start3A_254 = tpu.memref_slice %arg6[%run_scoped3A_214, %dma_start3A_252, %dma_start3A_253] : memref<8x128x64xf32, #tpu.memory_space<vmem>> -> memref<1x128x64xf32, #tpu.memory_space<vmem>>
        %dma_start3A_255 = tpu.memref_squeeze %dma_start3A_254 : memref<1x128x64xf32, #tpu.memory_space<vmem>> -> memref<128x64xf32, #tpu.memory_space<vmem>>
        %dma_start3A_256 = arith.constant 0 : i32
        %dma_start3A_257 = tpu.memref_slice %arg4[%add3A_213, %dma_start3A_256] : memref<425984x64xf32, #tpu.memory_space<hbm>> -> memref<128x64xf32, #tpu.memory_space<hbm>>
        %dma_start3A_258 = arith.constant 0 : i32
        %dma_start3A_259 = tpu.memref_slice %arg4[%add3A_213, %dma_start3A_258] : memref<425984x64xf32, #tpu.memory_space<hbm>> -> memref<128x64xf32, #tpu.memory_space<hbm>>
        %dma_start3A_260 = arith.constant 0 : i32
        %dma_start3A_261 = arith.constant 0 : i32
        %dma_start3A_262 = tpu.memref_slice %arg6[%run_scoped3A_214, %dma_start3A_260, %dma_start3A_261] : memref<8x128x64xf32, #tpu.memory_space<vmem>> -> memref<1x128x64xf32, #tpu.memory_space<vmem>>
        %dma_start3A_263 = tpu.memref_squeeze %dma_start3A_262 : memref<1x128x64xf32, #tpu.memory_space<vmem>> -> memref<128x64xf32, #tpu.memory_space<vmem>>
        tpu.enqueue_dma source(%dma_start3A_263 : memref<128x64xf32, #tpu.memory_space<vmem>>) target(%dma_start3A_259 : memref<128x64xf32, #tpu.memory_space<hbm>>) target_semaphore(%run_scoped3A_251 : memref<!tpu.dma_semaphore, #tpu.memory_space<semaphore_mem>>)
        %dma_wait3A_264 = arith.constant 0 : i32
        %dma_wait3A_265 = arith.constant 0 : i32
        %dma_wait3A_266 = tpu.memref_slice %arg6[%run_scoped3A_214, %dma_wait3A_264, %dma_wait3A_265] : memref<8x128x64xf32, #tpu.memory_space<vmem>> -> memref<1x128x64xf32, #tpu.memory_space<vmem>>
        %dma_wait3A_267 = tpu.memref_squeeze %dma_wait3A_266 : memref<1x128x64xf32, #tpu.memory_space<vmem>> -> memref<128x64xf32, #tpu.memory_space<vmem>>
        %dma_wait3A_268 = arith.constant 0 : i32
        %dma_wait3A_269 = tpu.memref_slice %arg4[%add3A_213, %dma_wait3A_268] : memref<425984x64xf32, #tpu.memory_space<hbm>> -> memref<128x64xf32, #tpu.memory_space<hbm>>
        %dma_wait3A_270 = arith.constant 0 : i32
        %dma_wait3A_271 = tpu.memref_slice %arg4[%add3A_213, %dma_wait3A_270] : memref<425984x64xf32, #tpu.memory_space<hbm>> -> memref<128x64xf32, #tpu.memory_space<hbm>>
        %dma_wait3A_272 = arith.constant 0 : i32
        %dma_wait3A_273 = arith.constant 0 : i32
        %dma_wait3A_274 = tpu.memref_slice %arg6[%run_scoped3A_214, %dma_wait3A_272, %dma_wait3A_273] : memref<8x128x64xf32, #tpu.memory_space<vmem>> -> memref<1x128x64xf32, #tpu.memory_space<vmem>>
        %dma_wait3A_275 = tpu.memref_squeeze %dma_wait3A_274 : memref<1x128x64xf32, #tpu.memory_space<vmem>> -> memref<128x64xf32, #tpu.memory_space<vmem>>
        tpu.wait_dma2 semaphore(%run_scoped3A_251 : memref<!tpu.dma_semaphore, #tpu.memory_space<semaphore_mem>>) src(%dma_wait3A_275 : memref<128x64xf32, #tpu.memory_space<vmem>>) dst(%dma_wait3A_271 : memref<128x64xf32, #tpu.memory_space<hbm>>)
        tpu.yield
      }) : () -> ()
      %add3A_215 = arith.constant 2 : i32
      %add3A_216 = arith.addi %add3A_13, %add3A_215 : i32
      %mul3A_217 = arith.constant 128 : i32
      %mul3A_218 = arith.muli %add3A_216, %mul3A_217 : i32
      %add3A_219 = arith.addi %mul3A_4, %mul3A_218 : i32
      %run_scoped3A_220 = arith.constant 2 : i32
      "tpu.region"() ({
        %run_scoped3A_251 = tpu.sem_alloc : memref<!tpu.dma_semaphore, #tpu.memory_space<semaphore_mem>>
        %dma_start3A_252 = arith.constant 0 : i32
        %dma_start3A_253 = arith.constant 0 : i32
        %dma_start3A_254 = tpu.memref_slice %arg6[%run_scoped3A_220, %dma_start3A_252, %dma_start3A_253] : memref<8x128x64xf32, #tpu.memory_space<vmem>> -> memref<1x128x64xf32, #tpu.memory_space<vmem>>
        %dma_start3A_255 = tpu.memref_squeeze %dma_start3A_254 : memref<1x128x64xf32, #tpu.memory_space<vmem>> -> memref<128x64xf32, #tpu.memory_space<vmem>>
        %dma_start3A_256 = arith.constant 0 : i32
        %dma_start3A_257 = tpu.memref_slice %arg4[%add3A_219, %dma_start3A_256] : memref<425984x64xf32, #tpu.memory_space<hbm>> -> memref<128x64xf32, #tpu.memory_space<hbm>>
        %dma_start3A_258 = arith.constant 0 : i32
        %dma_start3A_259 = tpu.memref_slice %arg4[%add3A_219, %dma_start3A_258] : memref<425984x64xf32, #tpu.memory_space<hbm>> -> memref<128x64xf32, #tpu.memory_space<hbm>>
        %dma_start3A_260 = arith.constant 0 : i32
        %dma_start3A_261 = arith.constant 0 : i32
        %dma_start3A_262 = tpu.memref_slice %arg6[%run_scoped3A_220, %dma_start3A_260, %dma_start3A_261] : memref<8x128x64xf32, #tpu.memory_space<vmem>> -> memref<1x128x64xf32, #tpu.memory_space<vmem>>
        %dma_start3A_263 = tpu.memref_squeeze %dma_start3A_262 : memref<1x128x64xf32, #tpu.memory_space<vmem>> -> memref<128x64xf32, #tpu.memory_space<vmem>>
        tpu.enqueue_dma source(%dma_start3A_263 : memref<128x64xf32, #tpu.memory_space<vmem>>) target(%dma_start3A_259 : memref<128x64xf32, #tpu.memory_space<hbm>>) target_semaphore(%run_scoped3A_251 : memref<!tpu.dma_semaphore, #tpu.memory_space<semaphore_mem>>)
        %dma_wait3A_264 = arith.constant 0 : i32
        %dma_wait3A_265 = arith.constant 0 : i32
        %dma_wait3A_266 = tpu.memref_slice %arg6[%run_scoped3A_220, %dma_wait3A_264, %dma_wait3A_265] : memref<8x128x64xf32, #tpu.memory_space<vmem>> -> memref<1x128x64xf32, #tpu.memory_space<vmem>>
        %dma_wait3A_267 = tpu.memref_squeeze %dma_wait3A_266 : memref<1x128x64xf32, #tpu.memory_space<vmem>> -> memref<128x64xf32, #tpu.memory_space<vmem>>
        %dma_wait3A_268 = arith.constant 0 : i32
        %dma_wait3A_269 = tpu.memref_slice %arg4[%add3A_219, %dma_wait3A_268] : memref<425984x64xf32, #tpu.memory_space<hbm>> -> memref<128x64xf32, #tpu.memory_space<hbm>>
        %dma_wait3A_270 = arith.constant 0 : i32
        %dma_wait3A_271 = tpu.memref_slice %arg4[%add3A_219, %dma_wait3A_270] : memref<425984x64xf32, #tpu.memory_space<hbm>> -> memref<128x64xf32, #tpu.memory_space<hbm>>
        %dma_wait3A_272 = arith.constant 0 : i32
        %dma_wait3A_273 = arith.constant 0 : i32
        %dma_wait3A_274 = tpu.memref_slice %arg6[%run_scoped3A_220, %dma_wait3A_272, %dma_wait3A_273] : memref<8x128x64xf32, #tpu.memory_space<vmem>> -> memref<1x128x64xf32, #tpu.memory_space<vmem>>
        %dma_wait3A_275 = tpu.memref_squeeze %dma_wait3A_274 : memref<1x128x64xf32, #tpu.memory_space<vmem>> -> memref<128x64xf32, #tpu.memory_space<vmem>>
        tpu.wait_dma2 semaphore(%run_scoped3A_251 : memref<!tpu.dma_semaphore, #tpu.memory_space<semaphore_mem>>) src(%dma_wait3A_275 : memref<128x64xf32, #tpu.memory_space<vmem>>) dst(%dma_wait3A_271 : memref<128x64xf32, #tpu.memory_space<hbm>>)
        tpu.yield
      }) : () -> ()
      %add3A_221 = arith.constant 3 : i32
      %add3A_222 = arith.addi %add3A_13, %add3A_221 : i32
      %mul3A_223 = arith.constant 128 : i32
      %mul3A_224 = arith.muli %add3A_222, %mul3A_223 : i32
      %add3A_225 = arith.addi %mul3A_4, %mul3A_224 : i32
      %run_scoped3A_226 = arith.constant 3 : i32
      "tpu.region"() ({
        %run_scoped3A_251 = tpu.sem_alloc : memref<!tpu.dma_semaphore, #tpu.memory_space<semaphore_mem>>
        %dma_start3A_252 = arith.constant 0 : i32
        %dma_start3A_253 = arith.constant 0 : i32
        %dma_start3A_254 = tpu.memref_slice %arg6[%run_scoped3A_226, %dma_start3A_252, %dma_start3A_253] : memref<8x128x64xf32, #tpu.memory_space<vmem>> -> memref<1x128x64xf32, #tpu.memory_space<vmem>>
        %dma_start3A_255 = tpu.memref_squeeze %dma_start3A_254 : memref<1x128x64xf32, #tpu.memory_space<vmem>> -> memref<128x64xf32, #tpu.memory_space<vmem>>
        %dma_start3A_256 = arith.constant 0 : i32
        %dma_start3A_257 = tpu.memref_slice %arg4[%add3A_225, %dma_start3A_256] : memref<425984x64xf32, #tpu.memory_space<hbm>> -> memref<128x64xf32, #tpu.memory_space<hbm>>
        %dma_start3A_258 = arith.constant 0 : i32
        %dma_start3A_259 = tpu.memref_slice %arg4[%add3A_225, %dma_start3A_258] : memref<425984x64xf32, #tpu.memory_space<hbm>> -> memref<128x64xf32, #tpu.memory_space<hbm>>
        %dma_start3A_260 = arith.constant 0 : i32
        %dma_start3A_261 = arith.constant 0 : i32
        %dma_start3A_262 = tpu.memref_slice %arg6[%run_scoped3A_226, %dma_start3A_260, %dma_start3A_261] : memref<8x128x64xf32, #tpu.memory_space<vmem>> -> memref<1x128x64xf32, #tpu.memory_space<vmem>>
        %dma_start3A_263 = tpu.memref_squeeze %dma_start3A_262 : memref<1x128x64xf32, #tpu.memory_space<vmem>> -> memref<128x64xf32, #tpu.memory_space<vmem>>
        tpu.enqueue_dma source(%dma_start3A_263 : memref<128x64xf32, #tpu.memory_space<vmem>>) target(%dma_start3A_259 : memref<128x64xf32, #tpu.memory_space<hbm>>) target_semaphore(%run_scoped3A_251 : memref<!tpu.dma_semaphore, #tpu.memory_space<semaphore_mem>>)
        %dma_wait3A_264 = arith.constant 0 : i32
        %dma_wait3A_265 = arith.constant 0 : i32
        %dma_wait3A_266 = tpu.memref_slice %arg6[%run_scoped3A_226, %dma_wait3A_264, %dma_wait3A_265] : memref<8x128x64xf32, #tpu.memory_space<vmem>> -> memref<1x128x64xf32, #tpu.memory_space<vmem>>
        %dma_wait3A_267 = tpu.memref_squeeze %dma_wait3A_266 : memref<1x128x64xf32, #tpu.memory_space<vmem>> -> memref<128x64xf32, #tpu.memory_space<vmem>>
        %dma_wait3A_268 = arith.constant 0 : i32
        %dma_wait3A_269 = tpu.memref_slice %arg4[%add3A_225, %dma_wait3A_268] : memref<425984x64xf32, #tpu.memory_space<hbm>> -> memref<128x64xf32, #tpu.memory_space<hbm>>
        %dma_wait3A_270 = arith.constant 0 : i32
        %dma_wait3A_271 = tpu.memref_slice %arg4[%add3A_225, %dma_wait3A_270] : memref<425984x64xf32, #tpu.memory_space<hbm>> -> memref<128x64xf32, #tpu.memory_space<hbm>>
        %dma_wait3A_272 = arith.constant 0 : i32
        %dma_wait3A_273 = arith.constant 0 : i32
        %dma_wait3A_274 = tpu.memref_slice %arg6[%run_scoped3A_226, %dma_wait3A_272, %dma_wait3A_273] : memref<8x128x64xf32, #tpu.memory_space<vmem>> -> memref<1x128x64xf32, #tpu.memory_space<vmem>>
        %dma_wait3A_275 = tpu.memref_squeeze %dma_wait3A_274 : memref<1x128x64xf32, #tpu.memory_space<vmem>> -> memref<128x64xf32, #tpu.memory_space<vmem>>
        tpu.wait_dma2 semaphore(%run_scoped3A_251 : memref<!tpu.dma_semaphore, #tpu.memory_space<semaphore_mem>>) src(%dma_wait3A_275 : memref<128x64xf32, #tpu.memory_space<vmem>>) dst(%dma_wait3A_271 : memref<128x64xf32, #tpu.memory_space<hbm>>)
        tpu.yield
      }) : () -> ()
      %add3A_227 = arith.constant 4 : i32
      %add3A_228 = arith.addi %add3A_13, %add3A_227 : i32
      %mul3A_229 = arith.constant 128 : i32
      %mul3A_230 = arith.muli %add3A_228, %mul3A_229 : i32
      %add3A_231 = arith.addi %mul3A_4, %mul3A_230 : i32
      %run_scoped3A_232 = arith.constant 4 : i32
      "tpu.region"() ({
        %run_scoped3A_251 = tpu.sem_alloc : memref<!tpu.dma_semaphore, #tpu.memory_space<semaphore_mem>>
        %dma_start3A_252 = arith.constant 0 : i32
        %dma_start3A_253 = arith.constant 0 : i32
        %dma_start3A_254 = tpu.memref_slice %arg6[%run_scoped3A_232, %dma_start3A_252, %dma_start3A_253] : memref<8x128x64xf32, #tpu.memory_space<vmem>> -> memref<1x128x64xf32, #tpu.memory_space<vmem>>
        %dma_start3A_255 = tpu.memref_squeeze %dma_start3A_254 : memref<1x128x64xf32, #tpu.memory_space<vmem>> -> memref<128x64xf32, #tpu.memory_space<vmem>>
        %dma_start3A_256 = arith.constant 0 : i32
        %dma_start3A_257 = tpu.memref_slice %arg4[%add3A_231, %dma_start3A_256] : memref<425984x64xf32, #tpu.memory_space<hbm>> -> memref<128x64xf32, #tpu.memory_space<hbm>>
        %dma_start3A_258 = arith.constant 0 : i32
        %dma_start3A_259 = tpu.memref_slice %arg4[%add3A_231, %dma_start3A_258] : memref<425984x64xf32, #tpu.memory_space<hbm>> -> memref<128x64xf32, #tpu.memory_space<hbm>>
        %dma_start3A_260 = arith.constant 0 : i32
        %dma_start3A_261 = arith.constant 0 : i32
        %dma_start3A_262 = tpu.memref_slice %arg6[%run_scoped3A_232, %dma_start3A_260, %dma_start3A_261] : memref<8x128x64xf32, #tpu.memory_space<vmem>> -> memref<1x128x64xf32, #tpu.memory_space<vmem>>
        %dma_start3A_263 = tpu.memref_squeeze %dma_start3A_262 : memref<1x128x64xf32, #tpu.memory_space<vmem>> -> memref<128x64xf32, #tpu.memory_space<vmem>>
        tpu.enqueue_dma source(%dma_start3A_263 : memref<128x64xf32, #tpu.memory_space<vmem>>) target(%dma_start3A_259 : memref<128x64xf32, #tpu.memory_space<hbm>>) target_semaphore(%run_scoped3A_251 : memref<!tpu.dma_semaphore, #tpu.memory_space<semaphore_mem>>)
        %dma_wait3A_264 = arith.constant 0 : i32
        %dma_wait3A_265 = arith.constant 0 : i32
        %dma_wait3A_266 = tpu.memref_slice %arg6[%run_scoped3A_232, %dma_wait3A_264, %dma_wait3A_265] : memref<8x128x64xf32, #tpu.memory_space<vmem>> -> memref<1x128x64xf32, #tpu.memory_space<vmem>>
        %dma_wait3A_267 = tpu.memref_squeeze %dma_wait3A_266 : memref<1x128x64xf32, #tpu.memory_space<vmem>> -> memref<128x64xf32, #tpu.memory_space<vmem>>
        %dma_wait3A_268 = arith.constant 0 : i32
        %dma_wait3A_269 = tpu.memref_slice %arg4[%add3A_231, %dma_wait3A_268] : memref<425984x64xf32, #tpu.memory_space<hbm>> -> memref<128x64xf32, #tpu.memory_space<hbm>>
        %dma_wait3A_270 = arith.constant 0 : i32
        %dma_wait3A_271 = tpu.memref_slice %arg4[%add3A_231, %dma_wait3A_270] : memref<425984x64xf32, #tpu.memory_space<hbm>> -> memref<128x64xf32, #tpu.memory_space<hbm>>
        %dma_wait3A_272 = arith.constant 0 : i32
        %dma_wait3A_273 = arith.constant 0 : i32
        %dma_wait3A_274 = tpu.memref_slice %arg6[%run_scoped3A_232, %dma_wait3A_272, %dma_wait3A_273] : memref<8x128x64xf32, #tpu.memory_space<vmem>> -> memref<1x128x64xf32, #tpu.memory_space<vmem>>
        %dma_wait3A_275 = tpu.memref_squeeze %dma_wait3A_274 : memref<1x128x64xf32, #tpu.memory_space<vmem>> -> memref<128x64xf32, #tpu.memory_space<vmem>>
        tpu.wait_dma2 semaphore(%run_scoped3A_251 : memref<!tpu.dma_semaphore, #tpu.memory_space<semaphore_mem>>) src(%dma_wait3A_275 : memref<128x64xf32, #tpu.memory_space<vmem>>) dst(%dma_wait3A_271 : memref<128x64xf32, #tpu.memory_space<hbm>>)
        tpu.yield
      }) : () -> ()
      %add3A_233 = arith.constant 5 : i32
      %add3A_234 = arith.addi %add3A_13, %add3A_233 : i32
      %mul3A_235 = arith.constant 128 : i32
      %mul3A_236 = arith.muli %add3A_234, %mul3A_235 : i32
      %add3A_237 = arith.addi %mul3A_4, %mul3A_236 : i32
      %run_scoped3A_238 = arith.constant 5 : i32
      "tpu.region"() ({
        %run_scoped3A_251 = tpu.sem_alloc : memref<!tpu.dma_semaphore, #tpu.memory_space<semaphore_mem>>
        %dma_start3A_252 = arith.constant 0 : i32
        %dma_start3A_253 = arith.constant 0 : i32
        %dma_start3A_254 = tpu.memref_slice %arg6[%run_scoped3A_238, %dma_start3A_252, %dma_start3A_253] : memref<8x128x64xf32, #tpu.memory_space<vmem>> -> memref<1x128x64xf32, #tpu.memory_space<vmem>>
        %dma_start3A_255 = tpu.memref_squeeze %dma_start3A_254 : memref<1x128x64xf32, #tpu.memory_space<vmem>> -> memref<128x64xf32, #tpu.memory_space<vmem>>
        %dma_start3A_256 = arith.constant 0 : i32
        %dma_start3A_257 = tpu.memref_slice %arg4[%add3A_237, %dma_start3A_256] : memref<425984x64xf32, #tpu.memory_space<hbm>> -> memref<128x64xf32, #tpu.memory_space<hbm>>
        %dma_start3A_258 = arith.constant 0 : i32
        %dma_start3A_259 = tpu.memref_slice %arg4[%add3A_237, %dma_start3A_258] : memref<425984x64xf32, #tpu.memory_space<hbm>> -> memref<128x64xf32, #tpu.memory_space<hbm>>
        %dma_start3A_260 = arith.constant 0 : i32
        %dma_start3A_261 = arith.constant 0 : i32
        %dma_start3A_262 = tpu.memref_slice %arg6[%run_scoped3A_238, %dma_start3A_260, %dma_start3A_261] : memref<8x128x64xf32, #tpu.memory_space<vmem>> -> memref<1x128x64xf32, #tpu.memory_space<vmem>>
        %dma_start3A_263 = tpu.memref_squeeze %dma_start3A_262 : memref<1x128x64xf32, #tpu.memory_space<vmem>> -> memref<128x64xf32, #tpu.memory_space<vmem>>
        tpu.enqueue_dma source(%dma_start3A_263 : memref<128x64xf32, #tpu.memory_space<vmem>>) target(%dma_start3A_259 : memref<128x64xf32, #tpu.memory_space<hbm>>) target_semaphore(%run_scoped3A_251 : memref<!tpu.dma_semaphore, #tpu.memory_space<semaphore_mem>>)
        %dma_wait3A_264 = arith.constant 0 : i32
        %dma_wait3A_265 = arith.constant 0 : i32
        %dma_wait3A_266 = tpu.memref_slice %arg6[%run_scoped3A_238, %dma_wait3A_264, %dma_wait3A_265] : memref<8x128x64xf32, #tpu.memory_space<vmem>> -> memref<1x128x64xf32, #tpu.memory_space<vmem>>
        %dma_wait3A_267 = tpu.memref_squeeze %dma_wait3A_266 : memref<1x128x64xf32, #tpu.memory_space<vmem>> -> memref<128x64xf32, #tpu.memory_space<vmem>>
        %dma_wait3A_268 = arith.constant 0 : i32
        %dma_wait3A_269 = tpu.memref_slice %arg4[%add3A_237, %dma_wait3A_268] : memref<425984x64xf32, #tpu.memory_space<hbm>> -> memref<128x64xf32, #tpu.memory_space<hbm>>
        %dma_wait3A_270 = arith.constant 0 : i32
        %dma_wait3A_271 = tpu.memref_slice %arg4[%add3A_237, %dma_wait3A_270] : memref<425984x64xf32, #tpu.memory_space<hbm>> -> memref<128x64xf32, #tpu.memory_space<hbm>>
        %dma_wait3A_272 = arith.constant 0 : i32
        %dma_wait3A_273 = arith.constant 0 : i32
        %dma_wait3A_274 = tpu.memref_slice %arg6[%run_scoped3A_238, %dma_wait3A_272, %dma_wait3A_273] : memref<8x128x64xf32, #tpu.memory_space<vmem>> -> memref<1x128x64xf32, #tpu.memory_space<vmem>>
        %dma_wait3A_275 = tpu.memref_squeeze %dma_wait3A_274 : memref<1x128x64xf32, #tpu.memory_space<vmem>> -> memref<128x64xf32, #tpu.memory_space<vmem>>
        tpu.wait_dma2 semaphore(%run_scoped3A_251 : memref<!tpu.dma_semaphore, #tpu.memory_space<semaphore_mem>>) src(%dma_wait3A_275 : memref<128x64xf32, #tpu.memory_space<vmem>>) dst(%dma_wait3A_271 : memref<128x64xf32, #tpu.memory_space<hbm>>)
        tpu.yield
      }) : () -> ()
      %add3A_239 = arith.constant 6 : i32
      %add3A_240 = arith.addi %add3A_13, %add3A_239 : i32
      %mul3A_241 = arith.constant 128 : i32
      %mul3A_242 = arith.muli %add3A_240, %mul3A_241 : i32
      %add3A_243 = arith.addi %mul3A_4, %mul3A_242 : i32
      %run_scoped3A_244 = arith.constant 6 : i32
      "tpu.region"() ({
        %run_scoped3A_251 = tpu.sem_alloc : memref<!tpu.dma_semaphore, #tpu.memory_space<semaphore_mem>>
        %dma_start3A_252 = arith.constant 0 : i32
        %dma_start3A_253 = arith.constant 0 : i32
        %dma_start3A_254 = tpu.memref_slice %arg6[%run_scoped3A_244, %dma_start3A_252, %dma_start3A_253] : memref<8x128x64xf32, #tpu.memory_space<vmem>> -> memref<1x128x64xf32, #tpu.memory_space<vmem>>
        %dma_start3A_255 = tpu.memref_squeeze %dma_start3A_254 : memref<1x128x64xf32, #tpu.memory_space<vmem>> -> memref<128x64xf32, #tpu.memory_space<vmem>>
        %dma_start3A_256 = arith.constant 0 : i32
        %dma_start3A_257 = tpu.memref_slice %arg4[%add3A_243, %dma_start3A_256] : memref<425984x64xf32, #tpu.memory_space<hbm>> -> memref<128x64xf32, #tpu.memory_space<hbm>>
        %dma_start3A_258 = arith.constant 0 : i32
        %dma_start3A_259 = tpu.memref_slice %arg4[%add3A_243, %dma_start3A_258] : memref<425984x64xf32, #tpu.memory_space<hbm>> -> memref<128x64xf32, #tpu.memory_space<hbm>>
        %dma_start3A_260 = arith.constant 0 : i32
        %dma_start3A_261 = arith.constant 0 : i32
        %dma_start3A_262 = tpu.memref_slice %arg6[%run_scoped3A_244, %dma_start3A_260, %dma_start3A_261] : memref<8x128x64xf32, #tpu.memory_space<vmem>> -> memref<1x128x64xf32, #tpu.memory_space<vmem>>
        %dma_start3A_263 = tpu.memref_squeeze %dma_start3A_262 : memref<1x128x64xf32, #tpu.memory_space<vmem>> -> memref<128x64xf32, #tpu.memory_space<vmem>>
        tpu.enqueue_dma source(%dma_start3A_263 : memref<128x64xf32, #tpu.memory_space<vmem>>) target(%dma_start3A_259 : memref<128x64xf32, #tpu.memory_space<hbm>>) target_semaphore(%run_scoped3A_251 : memref<!tpu.dma_semaphore, #tpu.memory_space<semaphore_mem>>)
        %dma_wait3A_264 = arith.constant 0 : i32
        %dma_wait3A_265 = arith.constant 0 : i32
        %dma_wait3A_266 = tpu.memref_slice %arg6[%run_scoped3A_244, %dma_wait3A_264, %dma_wait3A_265] : memref<8x128x64xf32, #tpu.memory_space<vmem>> -> memref<1x128x64xf32, #tpu.memory_space<vmem>>
        %dma_wait3A_267 = tpu.memref_squeeze %dma_wait3A_266 : memref<1x128x64xf32, #tpu.memory_space<vmem>> -> memref<128x64xf32, #tpu.memory_space<vmem>>
        %dma_wait3A_268 = arith.constant 0 : i32
        %dma_wait3A_269 = tpu.memref_slice %arg4[%add3A_243, %dma_wait3A_268] : memref<425984x64xf32, #tpu.memory_space<hbm>> -> memref<128x64xf32, #tpu.memory_space<hbm>>
        %dma_wait3A_270 = arith.constant 0 : i32
        %dma_wait3A_271 = tpu.memref_slice %arg4[%add3A_243, %dma_wait3A_270] : memref<425984x64xf32, #tpu.memory_space<hbm>> -> memref<128x64xf32, #tpu.memory_space<hbm>>
        %dma_wait3A_272 = arith.constant 0 : i32
        %dma_wait3A_273 = arith.constant 0 : i32
        %dma_wait3A_274 = tpu.memref_slice %arg6[%run_scoped3A_244, %dma_wait3A_272, %dma_wait3A_273] : memref<8x128x64xf32, #tpu.memory_space<vmem>> -> memref<1x128x64xf32, #tpu.memory_space<vmem>>
        %dma_wait3A_275 = tpu.memref_squeeze %dma_wait3A_274 : memref<1x128x64xf32, #tpu.memory_space<vmem>> -> memref<128x64xf32, #tpu.memory_space<vmem>>
        tpu.wait_dma2 semaphore(%run_scoped3A_251 : memref<!tpu.dma_semaphore, #tpu.memory_space<semaphore_mem>>) src(%dma_wait3A_275 : memref<128x64xf32, #tpu.memory_space<vmem>>) dst(%dma_wait3A_271 : memref<128x64xf32, #tpu.memory_space<hbm>>)
        tpu.yield
      }) : () -> ()
      %add3A_245 = arith.constant 7 : i32
      %add3A_246 = arith.addi %add3A_13, %add3A_245 : i32
      %mul3A_247 = arith.constant 128 : i32
      %mul3A_248 = arith.muli %add3A_246, %mul3A_247 : i32
      %add3A_249 = arith.addi %mul3A_4, %mul3A_248 : i32
      %run_scoped3A_250 = arith.constant 7 : i32
      "tpu.region"() ({
        %run_scoped3A_251 = tpu.sem_alloc : memref<!tpu.dma_semaphore, #tpu.memory_space<semaphore_mem>>
        %dma_start3A_252 = arith.constant 0 : i32
        %dma_start3A_253 = arith.constant 0 : i32
        %dma_start3A_254 = tpu.memref_slice %arg6[%run_scoped3A_250, %dma_start3A_252, %dma_start3A_253] : memref<8x128x64xf32, #tpu.memory_space<vmem>> -> memref<1x128x64xf32, #tpu.memory_space<vmem>>
        %dma_start3A_255 = tpu.memref_squeeze %dma_start3A_254 : memref<1x128x64xf32, #tpu.memory_space<vmem>> -> memref<128x64xf32, #tpu.memory_space<vmem>>
        %dma_start3A_256 = arith.constant 0 : i32
        %dma_start3A_257 = tpu.memref_slice %arg4[%add3A_249, %dma_start3A_256] : memref<425984x64xf32, #tpu.memory_space<hbm>> -> memref<128x64xf32, #tpu.memory_space<hbm>>
        %dma_start3A_258 = arith.constant 0 : i32
        %dma_start3A_259 = tpu.memref_slice %arg4[%add3A_249, %dma_start3A_258] : memref<425984x64xf32, #tpu.memory_space<hbm>> -> memref<128x64xf32, #tpu.memory_space<hbm>>
        %dma_start3A_260 = arith.constant 0 : i32
        %dma_start3A_261 = arith.constant 0 : i32
        %dma_start3A_262 = tpu.memref_slice %arg6[%run_scoped3A_250, %dma_start3A_260, %dma_start3A_261] : memref<8x128x64xf32, #tpu.memory_space<vmem>> -> memref<1x128x64xf32, #tpu.memory_space<vmem>>
        %dma_start3A_263 = tpu.memref_squeeze %dma_start3A_262 : memref<1x128x64xf32, #tpu.memory_space<vmem>> -> memref<128x64xf32, #tpu.memory_space<vmem>>
        tpu.enqueue_dma source(%dma_start3A_263 : memref<128x64xf32, #tpu.memory_space<vmem>>) target(%dma_start3A_259 : memref<128x64xf32, #tpu.memory_space<hbm>>) target_semaphore(%run_scoped3A_251 : memref<!tpu.dma_semaphore, #tpu.memory_space<semaphore_mem>>)
        %dma_wait3A_264 = arith.constant 0 : i32
        %dma_wait3A_265 = arith.constant 0 : i32
        %dma_wait3A_266 = tpu.memref_slice %arg6[%run_scoped3A_250, %dma_wait3A_264, %dma_wait3A_265] : memref<8x128x64xf32, #tpu.memory_space<vmem>> -> memref<1x128x64xf32, #tpu.memory_space<vmem>>
        %dma_wait3A_267 = tpu.memref_squeeze %dma_wait3A_266 : memref<1x128x64xf32, #tpu.memory_space<vmem>> -> memref<128x64xf32, #tpu.memory_space<vmem>>
        %dma_wait3A_268 = arith.constant 0 : i32
        %dma_wait3A_269 = tpu.memref_slice %arg4[%add3A_249, %dma_wait3A_268] : memref<425984x64xf32, #tpu.memory_space<hbm>> -> memref<128x64xf32, #tpu.memory_space<hbm>>
        %dma_wait3A_270 = arith.constant 0 : i32
        %dma_wait3A_271 = tpu.memref_slice %arg4[%add3A_249, %dma_wait3A_270] : memref<425984x64xf32, #tpu.memory_space<hbm>> -> memref<128x64xf32, #tpu.memory_space<hbm>>
        %dma_wait3A_272 = arith.constant 0 : i32
        %dma_wait3A_273 = arith.constant 0 : i32
        %dma_wait3A_274 = tpu.memref_slice %arg6[%run_scoped3A_250, %dma_wait3A_272, %dma_wait3A_273] : memref<8x128x64xf32, #tpu.memory_space<vmem>> -> memref<1x128x64xf32, #tpu.memory_space<vmem>>
        %dma_wait3A_275 = tpu.memref_squeeze %dma_wait3A_274 : memref<1x128x64xf32, #tpu.memory_space<vmem>> -> memref<128x64xf32, #tpu.memory_space<vmem>>
        tpu.wait_dma2 semaphore(%run_scoped3A_251 : memref<!tpu.dma_semaphore, #tpu.memory_space<semaphore_mem>>) src(%dma_wait3A_275 : memref<128x64xf32, #tpu.memory_space<vmem>>) dst(%dma_wait3A_271 : memref<128x64xf32, #tpu.memory_space<hbm>>)
        tpu.yield
      }) : () -> ()
    }
    %scan3A_8 = arith.constant 13 : i32
    return
  }
}

module attributes {stable_mosaic.version = 14 : i64} {
  func.func @_mlp_block(%arg0: i32, %arg1: memref<512x13xf32, #tpu.memory_space<vmem>>, %arg2: memref<512x1664xf32, #tpu.memory_space<vmem>>, %arg3: memref<13x1024xf32, #tpu.memory_space<vmem>>, %arg4: memref<1664x1024xf32, #tpu.memory_space<vmem>>, %arg5: memref<1x1024xf32, #tpu.memory_space<vmem>>, %arg6: memref<1x1024xf32, #tpu.memory_space<vmem>>, %arg7: memref<1x1024xf32, #tpu.memory_space<vmem>>, %arg8: memref<1x1024xf32, #tpu.memory_space<vmem>>, %arg9: memref<1x1024xf32, #tpu.memory_space<vmem>>, %arg10: memref<1024x512xf32, #tpu.memory_space<vmem>>, %arg11: memref<1x512xf32, #tpu.memory_space<vmem>>, %arg12: memref<1x512xf32, #tpu.memory_space<vmem>>, %arg13: memref<1x512xf32, #tpu.memory_space<vmem>>, %arg14: memref<1x512xf32, #tpu.memory_space<vmem>>, %arg15: memref<1x512xf32, #tpu.memory_space<vmem>>, %arg16: memref<512x1xf32, #tpu.memory_space<vmem>>, %arg17: memref<1x1xf32, #tpu.memory_space<vmem>>, %arg18: memref<512x1xf32, #tpu.memory_space<vmem>>) attributes {dimension_semantics = [#tpu.dimension_semantics<arbitrary>], iteration_bounds = array<i64: 32>, scalar_prefetch = 0 : i64, scratch_operands = 0 : i64, tpu.core_type = #tpu.core_type<tc>, window_params = [{transform_indices = @transform_0, window_bounds = array<i64: 512, 13>}, {transform_indices = @transform_1, window_bounds = array<i64: 512, 1664>}, {pipeline_mode = #tpu.pipeline_mode<synchronous>, transform_indices = @transform_2, window_bounds = array<i64: 13, 1024>}, {pipeline_mode = #tpu.pipeline_mode<synchronous>, transform_indices = @transform_3, window_bounds = array<i64: 1664, 1024>}, {pipeline_mode = #tpu.pipeline_mode<synchronous>, transform_indices = @transform_4, window_bounds = array<i64: 1, 1024>}, {pipeline_mode = #tpu.pipeline_mode<synchronous>, transform_indices = @transform_5, window_bounds = array<i64: 1, 1024>}, {pipeline_mode = #tpu.pipeline_mode<synchronous>, transform_indices = @transform_6, window_bounds = array<i64: 1, 1024>}, {pipeline_mode = #tpu.pipeline_mode<synchronous>, transform_indices = @transform_7, window_bounds = array<i64: 1, 1024>}, {pipeline_mode = #tpu.pipeline_mode<synchronous>, transform_indices = @transform_8, window_bounds = array<i64: 1, 1024>}, {pipeline_mode = #tpu.pipeline_mode<synchronous>, transform_indices = @transform_9, window_bounds = array<i64: 1024, 512>}, {pipeline_mode = #tpu.pipeline_mode<synchronous>, transform_indices = @transform_10, window_bounds = array<i64: 1, 512>}, {pipeline_mode = #tpu.pipeline_mode<synchronous>, transform_indices = @transform_11, window_bounds = array<i64: 1, 512>}, {pipeline_mode = #tpu.pipeline_mode<synchronous>, transform_indices = @transform_12, window_bounds = array<i64: 1, 512>}, {pipeline_mode = #tpu.pipeline_mode<synchronous>, transform_indices = @transform_13, window_bounds = array<i64: 1, 512>}, {pipeline_mode = #tpu.pipeline_mode<synchronous>, transform_indices = @transform_14, window_bounds = array<i64: 1, 512>}, {pipeline_mode = #tpu.pipeline_mode<synchronous>, transform_indices = @transform_15, window_bounds = array<i64: 512, 1>}, {pipeline_mode = #tpu.pipeline_mode<synchronous>, transform_indices = @transform_16, window_bounds = array<i64: 1, 1>}, {transform_indices = @transform_17, window_bounds = array<i64: 512, 1>}]} {
    %get3A = arith.constant 0 : index
    %get3A_0 = arith.constant 0 : index
    %get3A_1 = vector.load %arg6[%get3A, %get3A_0] : memref<1x1024xf32, #tpu.memory_space<vmem>>, vector<1x1024xf32>
    %get3A_2 = arith.constant 0 : index
    %get3A_3 = arith.constant 0 : index
    %get3A_4 = vector.load %arg9[%get3A_2, %get3A_3] : memref<1x1024xf32, #tpu.memory_space<vmem>>, vector<1x1024xf32>
    %add3A = arith.constant 9.99999974E-6 : f32
    %add3A_5 = vector.broadcast %add3A : f32 to vector<1x1024xf32>
    %add3A_6 = arith.addf %get3A_4, %add3A_5 : vector<1x1024xf32>
    %rsqrt3A = math.rsqrt %add3A_6 : vector<1x1024xf32>
    %mul3A = arith.mulf %get3A_1, %rsqrt3A : vector<1x1024xf32>
    %get3A_7 = arith.constant 0 : index
    %get3A_8 = arith.constant 0 : index
    %get3A_9 = vector.load %arg7[%get3A_7, %get3A_8] : memref<1x1024xf32, #tpu.memory_space<vmem>>, vector<1x1024xf32>
    %get3A_10 = arith.constant 0 : index
    %get3A_11 = arith.constant 0 : index
    %get3A_12 = vector.load %arg8[%get3A_10, %get3A_11] : memref<1x1024xf32, #tpu.memory_space<vmem>>, vector<1x1024xf32>
    %mul3A_13 = arith.mulf %get3A_12, %mul3A : vector<1x1024xf32>
    %sub3A = arith.subf %get3A_9, %mul3A_13 : vector<1x1024xf32>
    %get3A_14 = arith.constant 0 : index
    %get3A_15 = arith.constant 0 : index
    %get3A_16 = vector.load %arg12[%get3A_14, %get3A_15] : memref<1x512xf32, #tpu.memory_space<vmem>>, vector<1x512xf32>
    %get3A_17 = arith.constant 0 : index
    %get3A_18 = arith.constant 0 : index
    %get3A_19 = vector.load %arg15[%get3A_17, %get3A_18] : memref<1x512xf32, #tpu.memory_space<vmem>>, vector<1x512xf32>
    %add3A_20 = arith.constant 9.99999974E-6 : f32
    %add3A_21 = vector.broadcast %add3A_20 : f32 to vector<1x512xf32>
    %add3A_22 = arith.addf %get3A_19, %add3A_21 : vector<1x512xf32>
    %rsqrt3A_23 = math.rsqrt %add3A_22 : vector<1x512xf32>
    %mul3A_24 = arith.mulf %get3A_16, %rsqrt3A_23 : vector<1x512xf32>
    %get3A_25 = arith.constant 0 : index
    %get3A_26 = arith.constant 0 : index
    %get3A_27 = vector.load %arg13[%get3A_25, %get3A_26] : memref<1x512xf32, #tpu.memory_space<vmem>>, vector<1x512xf32>
    %get3A_28 = arith.constant 0 : index
    %get3A_29 = arith.constant 0 : index
    %get3A_30 = vector.load %arg14[%get3A_28, %get3A_29] : memref<1x512xf32, #tpu.memory_space<vmem>>, vector<1x512xf32>
    %mul3A_31 = arith.mulf %get3A_30, %mul3A_24 : vector<1x512xf32>
    %sub3A_32 = arith.subf %get3A_27, %mul3A_31 : vector<1x512xf32>
    %get3A_33 = arith.constant 0 : index
    %get3A_34 = arith.constant 0 : index
    %get3A_35 = vector.load %arg1[%get3A_33, %get3A_34] : memref<512x13xf32, #tpu.memory_space<vmem>>, vector<512x13xf32>
    %get3A_36 = arith.constant 0 : index
    %get3A_37 = arith.constant 0 : index
    %get3A_38 = vector.load %arg3[%get3A_36, %get3A_37] : memref<13x1024xf32, #tpu.memory_space<vmem>>, vector<13x1024xf32>
    %dot_general3A = arith.constant dense<0.000000e+00> : vector<512x1024xf32>
    %dot_general3A_39 = tpu.matmul %get3A_35, %get3A_38, %dot_general3A {dimension_numbers = #tpu.dot_dimension_numbers<[1], [0], [0], [1], [0, 0, 1, 1], [], []>, transpose_lhs_hint = false} : vector<512x13xf32>, vector<13x1024xf32>, vector<512x1024xf32> -> vector<512x1024xf32>
    %get3A_40 = arith.constant 0 : index
    %get3A_41 = arith.constant 0 : index
    %get3A_42 = vector.load %arg2[%get3A_40, %get3A_41] : memref<512x1664xf32, #tpu.memory_space<vmem>>, vector<512x1664xf32>
    %get3A_43 = arith.constant 0 : index
    %get3A_44 = arith.constant 0 : index
    %get3A_45 = vector.load %arg4[%get3A_43, %get3A_44] : memref<1664x1024xf32, #tpu.memory_space<vmem>>, vector<1664x1024xf32>
    %dot_general3A_46 = arith.constant dense<0.000000e+00> : vector<512x1024xf32>
    %dot_general3A_47 = tpu.matmul %get3A_42, %get3A_45, %dot_general3A_46 {dimension_numbers = #tpu.dot_dimension_numbers<[1], [0], [0], [1], [0, 0, 1, 1], [], []>, transpose_lhs_hint = false} : vector<512x1664xf32>, vector<1664x1024xf32>, vector<512x1024xf32> -> vector<512x1024xf32>
    %add3A_48 = arith.addf %dot_general3A_39, %dot_general3A_47 : vector<512x1024xf32>
    %get3A_49 = arith.constant 0 : index
    %get3A_50 = arith.constant 0 : index
    %get3A_51 = vector.load %arg5[%get3A_49, %get3A_50] : memref<1x1024xf32, #tpu.memory_space<vmem>>, vector<1x1024xf32>
    %add3A_52 = vector.broadcast %get3A_51 : vector<1x1024xf32> to vector<512x1024xf32>
    %add3A_53 = arith.addf %add3A_48, %add3A_52 : vector<512x1024xf32>
    %max3A = arith.constant 0.000000e+00 : f32
    %max3A_54 = vector.broadcast %max3A : f32 to vector<512x1024xf32>
    %max3A_55 = arith.maximumf %add3A_53, %max3A_54 : vector<512x1024xf32>
    %mul3A_56 = vector.broadcast %mul3A : vector<1x1024xf32> to vector<512x1024xf32>
    %mul3A_57 = arith.mulf %max3A_55, %mul3A_56 : vector<512x1024xf32>
    %add3A_58 = vector.broadcast %sub3A : vector<1x1024xf32> to vector<512x1024xf32>
    %add3A_59 = arith.addf %mul3A_57, %add3A_58 : vector<512x1024xf32>
    %get3A_60 = arith.constant 0 : index
    %get3A_61 = arith.constant 0 : index
    %get3A_62 = vector.load %arg10[%get3A_60, %get3A_61] : memref<1024x512xf32, #tpu.memory_space<vmem>>, vector<1024x512xf32>
    %dot_general3A_63 = arith.constant dense<0.000000e+00> : vector<512x512xf32>
    %dot_general3A_64 = tpu.matmul %add3A_59, %get3A_62, %dot_general3A_63 {dimension_numbers = #tpu.dot_dimension_numbers<[1], [0], [0], [1], [0, 0, 1, 1], [], []>, transpose_lhs_hint = false} : vector<512x1024xf32>, vector<1024x512xf32>, vector<512x512xf32> -> vector<512x512xf32>
    %get3A_65 = arith.constant 0 : index
    %get3A_66 = arith.constant 0 : index
    %get3A_67 = vector.load %arg11[%get3A_65, %get3A_66] : memref<1x512xf32, #tpu.memory_space<vmem>>, vector<1x512xf32>
    %add3A_68 = vector.broadcast %get3A_67 : vector<1x512xf32> to vector<512x512xf32>
    %add3A_69 = arith.addf %dot_general3A_64, %add3A_68 : vector<512x512xf32>
    %max3A_70 = arith.constant 0.000000e+00 : f32
    %max3A_71 = vector.broadcast %max3A_70 : f32 to vector<512x512xf32>
    %max3A_72 = arith.maximumf %add3A_69, %max3A_71 : vector<512x512xf32>
    %mul3A_73 = vector.broadcast %mul3A_24 : vector<1x512xf32> to vector<512x512xf32>
    %mul3A_74 = arith.mulf %max3A_72, %mul3A_73 : vector<512x512xf32>
    %add3A_75 = vector.broadcast %sub3A_32 : vector<1x512xf32> to vector<512x512xf32>
    %add3A_76 = arith.addf %mul3A_74, %add3A_75 : vector<512x512xf32>
    %get3A_77 = arith.constant 0 : index
    %get3A_78 = arith.constant 0 : index
    %get3A_79 = vector.load %arg16[%get3A_77, %get3A_78] : memref<512x1xf32, #tpu.memory_space<vmem>>, vector<512x1xf32>
    %dot_general3A_80 = arith.constant dense<0.000000e+00> : vector<512x1xf32>
    %dot_general3A_81 = tpu.matmul %add3A_76, %get3A_79, %dot_general3A_80 {dimension_numbers = #tpu.dot_dimension_numbers<[1], [0], [0], [1], [0, 0, 1, 1], [], []>, transpose_lhs_hint = false} : vector<512x512xf32>, vector<512x1xf32>, vector<512x1xf32> -> vector<512x1xf32>
    %get3A_82 = arith.constant 0 : index
    %get3A_83 = arith.constant 0 : index
    %get3A_84 = vector.load %arg17[%get3A_82, %get3A_83] : memref<1x1xf32, #tpu.memory_space<vmem>>, vector<1x1xf32>
    %add3A_85 = vector.broadcast %get3A_84 : vector<1x1xf32> to vector<512x1xf32>
    %add3A_86 = arith.addf %dot_general3A_81, %add3A_85 : vector<512x1xf32>
    %swap3A = arith.constant 0 : index
    %swap3A_87 = arith.constant 0 : index
    %swap3A_88 = vector.load %arg18[%swap3A, %swap3A_87] : memref<512x1xf32, #tpu.memory_space<vmem>>, vector<512x1xf32>
    tpu.vector_store %arg18[%swap3A, %swap3A_87], %add3A_86 {strides = array<i32>} : memref<512x1xf32, #tpu.memory_space<vmem>>, vector<512x1xf32>,
    return
  }
  func.func @transform_0(%arg0: i32) -> (i32, i32) {
    %c0_i32 = arith.constant 0 : i32
    %c0_i32_0 = arith.constant 0 : i32
    return %arg0, %c0_i32 : i32, i32
  }
  func.func @transform_1(%arg0: i32) -> (i32, i32) {
    %c0_i32 = arith.constant 0 : i32
    %c0_i32_0 = arith.constant 0 : i32
    return %arg0, %c0_i32 : i32, i32
  }
  func.func @transform_2(%arg0: i32) -> (i32, i32) {
    %c0_i32 = arith.constant 0 : i32
    %c0_i32_0 = arith.constant 0 : i32
    %c0_i32_1 = arith.constant 0 : i32
    return %c0_i32, %c0_i32_0 : i32, i32
  }
  func.func @transform_3(%arg0: i32) -> (i32, i32) {
    %c0_i32 = arith.constant 0 : i32
    %c0_i32_0 = arith.constant 0 : i32
    %c0_i32_1 = arith.constant 0 : i32
    return %c0_i32, %c0_i32_0 : i32, i32
  }
  func.func @transform_4(%arg0: i32) -> (i32, i32) {
    %c0_i32 = arith.constant 0 : i32
    %c0_i32_0 = arith.constant 0 : i32
    %c0_i32_1 = arith.constant 0 : i32
    return %c0_i32, %c0_i32_0 : i32, i32
  }
  func.func @transform_5(%arg0: i32) -> (i32, i32) {
    %c0_i32 = arith.constant 0 : i32
    %c0_i32_0 = arith.constant 0 : i32
    %c0_i32_1 = arith.constant 0 : i32
    return %c0_i32, %c0_i32_0 : i32, i32
  }
  func.func @transform_6(%arg0: i32) -> (i32, i32) {
    %c0_i32 = arith.constant 0 : i32
    %c0_i32_0 = arith.constant 0 : i32
    %c0_i32_1 = arith.constant 0 : i32
    return %c0_i32, %c0_i32_0 : i32, i32
  }
  func.func @transform_7(%arg0: i32) -> (i32, i32) {
    %c0_i32 = arith.constant 0 : i32
    %c0_i32_0 = arith.constant 0 : i32
    %c0_i32_1 = arith.constant 0 : i32
    return %c0_i32, %c0_i32_0 : i32, i32
  }
  func.func @transform_8(%arg0: i32) -> (i32, i32) {
    %c0_i32 = arith.constant 0 : i32
    %c0_i32_0 = arith.constant 0 : i32
    %c0_i32_1 = arith.constant 0 : i32
    return %c0_i32, %c0_i32_0 : i32, i32
  }
  func.func @transform_9(%arg0: i32) -> (i32, i32) {
    %c0_i32 = arith.constant 0 : i32
    %c0_i32_0 = arith.constant 0 : i32
    %c0_i32_1 = arith.constant 0 : i32
    return %c0_i32, %c0_i32_0 : i32, i32
  }
  func.func @transform_10(%arg0: i32) -> (i32, i32) {
    %c0_i32 = arith.constant 0 : i32
    %c0_i32_0 = arith.constant 0 : i32
    %c0_i32_1 = arith.constant 0 : i32
    return %c0_i32, %c0_i32_0 : i32, i32
  }
  func.func @transform_11(%arg0: i32) -> (i32, i32) {
    %c0_i32 = arith.constant 0 : i32
    %c0_i32_0 = arith.constant 0 : i32
    %c0_i32_1 = arith.constant 0 : i32
    return %c0_i32, %c0_i32_0 : i32, i32
  }
  func.func @transform_12(%arg0: i32) -> (i32, i32) {
    %c0_i32 = arith.constant 0 : i32
    %c0_i32_0 = arith.constant 0 : i32
    %c0_i32_1 = arith.constant 0 : i32
    return %c0_i32, %c0_i32_0 : i32, i32
  }
  func.func @transform_13(%arg0: i32) -> (i32, i32) {
    %c0_i32 = arith.constant 0 : i32
    %c0_i32_0 = arith.constant 0 : i32
    %c0_i32_1 = arith.constant 0 : i32
    return %c0_i32, %c0_i32_0 : i32, i32
  }
  func.func @transform_14(%arg0: i32) -> (i32, i32) {
    %c0_i32 = arith.constant 0 : i32
    %c0_i32_0 = arith.constant 0 : i32
    %c0_i32_1 = arith.constant 0 : i32
    return %c0_i32, %c0_i32_0 : i32, i32
  }
  func.func @transform_15(%arg0: i32) -> (i32, i32) {
    %c0_i32 = arith.constant 0 : i32
    %c0_i32_0 = arith.constant 0 : i32
    %c0_i32_1 = arith.constant 0 : i32
    return %c0_i32, %c0_i32_0 : i32, i32
  }
  func.func @transform_16(%arg0: i32) -> (i32, i32) {
    %c0_i32 = arith.constant 0 : i32
    %c0_i32_0 = arith.constant 0 : i32
    %c0_i32_1 = arith.constant 0 : i32
    return %c0_i32, %c0_i32_0 : i32, i32
  }
  func.func @transform_17(%arg0: i32) -> (i32, i32) {
    %c0_i32 = arith.constant 0 : i32
    %c0_i32_0 = arith.constant 0 : i32
    return %arg0, %c0_i32 : i32, i32
  }
}

</mosaic_0001>

<sc_bundles>
// kernel: kernel.4.cloned.1.call-start
scs
__scs_entry_jumppad:
0x0: {  	(pc) =	sbr.rel $0x88, $3  }
0x1: {  	(tag) =	ssettag $0x0;
	lr =	simm.s32 $0x1  }
0x2: {  	[smem:$0x3F90] =	sst lr;
	_ =	strace $0xD0000000  }
0x3: {  	_ = 	snop  }
0x4: {  	_ = 	snop  }
0x5: {  	_ = 	snop  }
0x6: {  	_ = 	snop  }
0x7: {  	_ = 	snop  }
__scs_overlays_trampoline_lowered:
0x8: {  	[smem:$0x3F9F] =	sst s0  }
0x9: {  	[smem:$0x3FA0] =	sst s1  }
0xa: {  	[smem:$0x3FA1] =	sst s2  }
0xb: {  	[smem:$0x3FA2] =	sst s3  }
0xc: {  	[smem:$0x3FA3] =	sst s4  }
0xd: {  	[smem:$0x3FA4] =	sst s5  }
0xe: {  	[smem:$0x3FA5] =	sst s6  }
0xf: {  	[smem:$0x3FA6] =	sst s7  }
0x10: {  	[smem:$0x3FA7] =	sst s8  }
0x11: {  	[smem:$0x3FA8] =	sst s9;
	s0 =	simm.s32 @!p0 $0x0  }
0x12: {  	s1 =	sld [smem:$0x3F8E];
	s0 =	simm.s32 @p0 $0x1  }
0x13: {  	[smem:$0x3FA9] =	sst s0;
	s0 =	simm.s32 @!p1 $0x0  }
0x14: {  	s2 =	sld [smem:$0x3F8D];
	s0 =	simm.s32 @p1 $0x1  }
0x15: {  	[smem:$0x3FAA] =	sst s0;
	s0 =	simm.s32 @!p2 $0x0  }
0x16: {  	s3 =	sld [smem:$0x3FDB];
	s0 =	simm.s32 @p2 $0x1  }
0x17: {  	s4 =	simm.s32 $0x1BF5;
	[smem:$0x3FAC] =	sst s0  }
0x18: {  	s0 =	sld [smem:$0x3F8F];
	_ =	swait.ge [sflag:s4], $0x0  }
0x19: {  	s7 =	sld [smem:$0x3F90]  }
0x1a: {  	s8 =	sadd.s32 $0xFFFFE003, lr  }
0x1b: {  	s9 =	sadd.s32 $0xFFFFFEF7, lr;
	s5 =	simm.s32 $0xFFFFFFFF;
	p2 =	slt.u32 s8, $0xFFFFF086  }
0x1c: {  	p1 =	slt.u32 s9, $0xF7A;
	s5 =	simm.s32 @!p2 $0x0  }
0x1d: {  	s5 =	simm.s32 @p1 $0x1;
	p0 =	seq.s32 s7, s2  }
0x1e: {  	s7 =	smul.u32 @!p0 $0xF7A, s2;
	p2 =	seq.s32 @!p0 s5, $0x0  }
0x1f: {  	s9 =	smul.u32 $0xF7A, s1;
	s8 =	simm.s32 @!p0 $0x1BF5;
	p2 =	por !p2, p0  }
0x20: {  	[sflag:s8] =	ssyncset.s32 @!p0 $0xFFFFF086;
	s6 =	sadd.s32 @!p0 s3, s7;
	s7 =	simm.s32 @!p0 $0x108  }
0x21: {  	s3 =	sadd.s32 s3, s9;
	s6 =	sadd.s32 @!p0 $0x88, s6;
	s7 =	simm.s32 @p2 $0x1082  }
0x22: {  	[simem:s7], [sflag:s8] =	dma.local @!p0 [hbm:s6], $0xF7A  }
0x23: {  	s9 =	sor.u32 $0xD0000000, s2;
	s6 =	simm.s32 $0x108;
	_ =	swait.ge @!p0 [sflag:s8], $0x0  }
0x24: {  	s3 =	sadd.s32 $0x88, s3;
	s6 =	simm.s32 @!p1 $0x1082;
	[sflag:s4] =	ssyncset.s32 $0xFFFFF086  }
0x25: {  	[simem:s6], [sflag:s4] =	dma.local [hbm:s3], $0xF7A  }
0x26: {  	[smem:$0x3F90] =	sst s1;
	(tag) =	ssettag s2;
	_ =	strace s9  }
0x27: {  	s1 =	sld [smem:$0x3FA0]  }
0x28: {  	s2 =	sld [smem:$0x3FA1]  }
0x29: {  	s4 =	sld [smem:$0x3FA3]  }
0x2a: {  	p0 =	seq.s32 s5, $0x0;
	s5 =	sld [smem:$0x3FA4]  }
0x2b: {  	s6 =	sld [smem:$0x3FA5]  }
0x2c: {  	s7 =	sld [smem:$0x3FA6]  }
0x2d: {  	s3 =	simm.s32 $0x108;
	s8 =	sld [smem:$0x3FA7]  }
0x2e: {  	s3 =	simm.s32 @!p0 $0x1082;
	s9 =	sld [smem:$0x3FA8]  }
0x2f: {  	lr =	sadd.s32 s0, s3;
	s0 =	sld [smem:$0x3F9F]  }
0x30: {  	s3 =	sld [smem:$0x3FA2]  }
0x31: {  	[smem:$0x3FAB] =	sst s10  }
0x32: {  	s10 =	sld [smem:$0x3FA9];
	_ =	sdelay $0x3  }
0x33: {  	p0 =	seq.s32 s10, $0x1;
	s10 =	sld [smem:$0x3FAB];
	_ =	sdelay $0x3  }
0x34: {  	[smem:$0x3FAB] =	sst s10  }
0x35: {  	s10 =	sld [smem:$0x3FAA];
	_ =	sdelay $0x3  }
0x36: {  	p1 =	seq.s32 s10, $0x1;
	s10 =	sld [smem:$0x3FAB];
	_ =	sdelay $0x3  }
0x37: {  	[smem:$0x3FAB] =	sst s10  }
0x38: {  	s10 =	sld [smem:$0x3FAC]  }
0x39: {  	_ = 	snop;
	(pc) =	sbr.ind lr, $3  }
0x3a: {  	_ = 	snop  }
0x3b: {  	_ = 	snop  }
0x3c: {  	p2 =	seq.s32 s10, $0x1;
	s10 =	sld [smem:$0x3FAB]  }
0x3d: {  	_ =	shalt  }
0x3e: {  	_ =	shalt  }
0x3f: {  	_ =	shalt  }
0x40: {  	_ =	shalt  }
0x41: {  	_ =	shalt  }
0x42: {  	_ =	shalt  }
0x43: {  	_ =	shalt  }
0x44: {  	_ =	shalt  }
0x45: {  	_ =	shalt  }
0x46: {  	_ =	shalt  }
0x47: {  	_ =	shalt  }
0x48: {  	_ =	shalt  }
0x49: {  	_ =	shalt  }
0x4a: {  	_ =	shalt  }
0x4b: {  	_ =	shalt  }
0x4c: {  	_ =	shalt  }
0x4d: {  	_ =	shalt  }
0x4e: {  	_ =	shalt  }
0x4f: {  	_ =	shalt  }
0x50: {  	_ =	shalt  }
0x51: {  	_ =	shalt  }
0x52: {  	_ =	shalt  }
0x53: {  	_ =	shalt  }
0x54: {  	_ =	shalt  }
0x55: {  	_ =	shalt  }
0x56: {  	_ =	shalt  }
0x57: {  	_ =	shalt  }
0x58: {  	_ =	shalt  }
0x59: {  	_ =	shalt  }
0x5a: {  	_ =	shalt  }
0x5b: {  	_ =	shalt  }
0x5c: {  	_ =	shalt  }
0x5d: {  	_ =	shalt  }
0x5e: {  	_ =	shalt  }
0x5f: {  	_ =	shalt  }
0x60: {  	_ =	shalt  }
0x61: {  	_ =	shalt  }
0x62: {  	_ =	shalt  }
0x63: {  	_ =	shalt  }
0x64: {  	_ =	shalt  }
0x65: {  	_ =	shalt  }
0x66: {  	_ =	shalt  }
0x67: {  	_ =	shalt  }
0x68: {  	_ =	shalt  }
0x69: {  	_ =	shalt  }
0x6a: {  	_ =	shalt  }
0x6b: {  	_ =	shalt  }
0x6c: {  	_ =	shalt  }
0x6d: {  	_ =	shalt  }
0x6e: {  	_ =	shalt  }
0x6f: {  	_ =	shalt  }
0x70: {  	_ =	shalt  }
0x71: {  	_ =	shalt  }
0x72: {  	_ =	shalt  }
0x73: {  	_ =	shalt  }
0x74: {  	_ =	shalt  }
0x75: {  	_ =	shalt  }
0x76: {  	_ =	shalt  }
0x77: {  	_ =	shalt  }
0x78: {  	_ =	shalt  }
0x79: {  	_ =	shalt  }
0x7a: {  	_ =	shalt  }
0x7b: {  	_ =	shalt  }
0x7c: {  	_ =	shalt  }
0x7d: {  	_ =	shalt  }
0x7e: {  	_ =	shalt  }
0x7f: {  	_ =	shalt  }
0x80: {  	_ =	shalt  }
0x81: {  	_ =	shalt  }
0x82: {  	_ =	shalt  }
0x83: {  	_ =	shalt  }
0x84: {  	_ =	shalt  }
0x85: {  	_ =	shalt  }
0x86: {  	_ =	shalt  }
0x87: {  	_ =	shalt  }
.Lfunc_end0:
.L_simem_size_0:
called_computation_lowered:
.L_overlay_start_0:
0x88: {  	s2 =	sld [smem:$0x3FD9]  }
0x89: {  	s3 =	sld [smem:$0x3FFE];
	_ =	sdelay $0x1  }
0x8a: {  	s1 =	srdreg.scid  }
0x8b: {  	s0 =	sand.u32 $0x1, s1  }
0x8c: {  	s16 =	sshll.u32 s0, $0xA;
	s2 =	sadd.s32 s3, s2  }
0x8d: {  	s2 =	sadd.s32 s2, s16  }
0x8e: {  	[smem:$0x3FB7] =	sst s2  }
0x8f: {  	_ = 	snop  }
0x90: {  	(tm) =	ssettm $0x1  }
0x91: {  	s17 =	sld [smem:$0x3FFB];
	_ =	sdelay $0x3  }
0x92: {  	_ =	strace s17  }
0x93: {  	s2 =	sld [smem:$0x3FFC];
	_ =	sdelay $0x3  }
0x94: {  	_ =	strace s2  }
0x95: {  	s2 =	sld [smem:$0x3FFD];
	_ =	sdelay $0x3  }
0x96: {  	_ =	strace s2  }
0x97: {  	_ =	strace $0x8FFFFFFF  }
0x98: {  	s18 =	sld [smem:$0x3FDB];
	_ =	sdelay $0x1  }
0x99: {  	s19 =	simm.s32 $_scs_section_size  }
0x9a: {  	s4 =	simm.s32 $_size__tile_overlayer_lowered;
	s5 =	simm.s32 $_tile_overlayer_lowered  }
0x9b: {  	s22 =	simm.s32 $0x1BFF;
	s21 =	sshll.u32 s5, $0x1;
	s2 =	sadd.s32 s19, s18  }
0x9c: {  	s6 =	simm.s32 $0x0;
	s20 =	sshll.u32 s4, $0x1;
	s4 =	sadd.s32 s21, s2  }
0x9d: {  	[timem:s6], [sflag:s22] =	dma.local [hbm:s4], s20  }
0x9e: {  	_ =	swait.ge [sflag:s22], s20  }
0x9f: {  	s3 =	ssub.s32 $0x0, s20;
	[sflag:s22] =	ssyncset.done $0x0  }
0xa0: {  	[sflag:s22] =	ssyncadd.s32 s3;
	_ =	sdelay $0x1  }
0xa1: {  	s23 =	simm.s32 $0x1B8B  }
0xa2: {  	_ =	swait.ge [sflag:s23], $0x1  }
0xa3: {  	[sflag:s23] =	ssyncset.done $0x0  }
0xa4: {  	s25 =	simm.s32 $0x1B8E;
	s24 =	sld [smem:$0x3FFE];
	[sflag:s23] =	ssyncadd.s32 $0xFFFFFFFF  }
0xa5: {  	s26 =	simm.s32 $execute0_lowered;
	[smem:$0x3FD2] =	sst s25  }
0xa6: {  	s4 =	sshll.u32 s26, $0x1;
	_ =	strace $0x80000046;
	[dreg:$0x1] =	wrdreg $0xFFFFFFFF  }
0xa7: {  	s28 =	simm.s32 $_size_execute0_lowered;
	s2 =	sadd.s32 s2, s4;
	[dreg:$0x0] =	wrdreg $0x0  }
0xa8: {  	s4 =	sshll.u32 s28, $0x1;
	[dreg:$0x2] =	wrdreg s2  }
0xa9: {  	[dreg:$0x3] =	wrdreg s4  }
0xaa: {  	[dreg:$0x4] =	wrdreg $0xC0  }
0xab: {  	_ =	task [dreg:s6], $0x5FFFF  }
0xac: {  	[dreg:$0x1] =	wrdreg $0xFFFFFFFF  }
0xad: {  	[dreg:$0x0] =	wrdreg $0x60  }
0xae: {  	[dreg:$0x2] =	wrdreg s24  }
0xaf: {  	[dreg:$0x3] =	wrdreg $0x9  }
0xb0: {  	_ =	task.clear_ibuf [dreg:s6], $0x4FFFF;
	_ =	strace $0x90000046  }
0xb1: {  	s29 =	simm.s32 $0x9;
	_ =	strace $0x80000048  }
0xb2: {  	_ =	swait.ge [sflag:s29], $0x1  }
0xb3: {  	[sflag:s29] =	ssyncadd.s32 $0xFFFFFFFF  }
0xb4: {  	_ =	strace $0x90000048  }
0xb5: {  	_ =	sfence  }
0xb6: {  	s30 =	sld [smem:$0x0];
	_ =	sdelay $0x2  }
0xb7: {  	s31 =	sshll.u32 s1, $0xD;
	s1 =	sshrl.u32 s1, $0x2  }
0xb8: {  	s3 =	sand.u32 $0x4000, s31;
	s1 =	sadd.s32 s1, s30  }
0xb9: {  	s0 =	sor.u32 s3, s0;
	s1 =	sshll.u32 s1, $0x11  }
0xba: {  	s0 =	sor.u32 s1, s0  }
0xbb: {  	s0 =	sadd.s32 $0x8F2B, s0  }
0xbc: {  	[sflag:s0] =	ssyncadd.remote.s32 $0x1  }
0xbd: {  	_ =	sfence.sel $0xFFFF  }
0xbe: {  	[dreg:$0x0] =	wrdreg $0xFFFFFFFF;
	(pc) =	sbr.abs _section_cstart, $3  }
0xbf: {  	[dreg:$0x1] =	wrdreg $0xFFFFFFFF  }
0xc0: {  	_ =	task.clear_ibuf [dreg:s6], $0x2FFFF;
	_ =	strace $0x9FFFFFFF  }
0xc1: {  	(tm) =	ssettm $0x7FFFFFFF  }
tec
execute0_lowered:
.L_overlay_start_1:
0x0: {  	(tag) =	ssettag $0x1  }
0x1: {  	s1 =	srdreg.scid  }
0x2: {  	s0 =	stileid.u32;
	s6 =	rddreg [dreg:$0x0]  }
0x3: {  	s2 =	simm.s32 $0x0;
	s11 =	simm.s32 $0x5400;
	s12 =	simm.s32 $0x7400  }
0x4: {  	s13 =	simm.s32 $0x9400;
	s14 =	simm.s32 $0xB400;
	s15 =	simm.s32 $0xD400  }
0x5: {  	s16 =	simm.s32 $0xF400;
	s17 =	simm.s32 $0x11400;
	s5 =	smul.u32 $0x1A0000, s0  }
0x6: {  	s18 =	simm.s32 $0x1;
	s4 =	sand.u32 $0x1, s1;
	s8 =	smul.u32 $0x6800, s0  }
0x7: {  	s19 =	simm.s32 $0x0;
	s20 =	sshll.u32 s0, $0x1;
	s7 =	smul.u32 $0xD0000, s4  }
0x8: {  	[smem:$0x7FF] =	sst s2;
	s1 =	sor.u32 s4, s20;
	s9 =	smul.u32 $0x3400, s4  }
0x9: {  	s23 =	sadd.s32 $0xF000, s6;
	s4 =	ssub.s32 $0x2, s4;
	s3 =	smul.u32 $0x680, s1  }
0xa: {  	s1 =	rddreg [dreg:$0x1];
	_ =	strace $0x80000047;
	s26 =	sshrl.u32 s4, $0x1  }
0xb: {  	s21 =	sadd.s32 s7, s5;
	s22 =	sadd.s32 s9, s8;
	s8 =	simm.s32 $0x2  }
0xc: {  	s9 =	simm.s32 $0x80;
	s24 =	sshrl.u32 s21, $0x3;
	s5 =	sshll.u32 s22, $0x3  }
0xd: {  	s10 =	sadd.s32 s3, s6;
	s25 =	sadd.s32 s24, s23;
	s7 =	sadd.s32 s5, s23  }
0xe: {  	s3 =	sadd.s32 $0x27AE400, s6;
	[dreg:$0x2] =	wrdreg s25;
	s5 =	sadd.s32 $0x1800, s7  }
0xf: {  	s6 =	ssub.s32 s4, s26;
	s28 =	sadd.s32 $0x1400, s7;
	[dreg:$0x3] =	wrdreg s5  }
0x10: {  	s4 =	sadd.s32 $0x2000, s10;
	s29 =	sadd.s32 $0x1000, s7;
	[dreg:$0x4] =	wrdreg s28  }
0x11: {  	s10 =	simm.s32 $0x3400;
	s30 =	sadd.s32 $0xC00, s7;
	[dreg:$0x5] =	wrdreg s29  }
0x12: {  	s31 =	sadd.s32 $0x800, s7;
	s5 =	smax.u32 s6, $0x1;
	[dreg:$0x6] =	wrdreg s30  }
0x13: {  	[dreg:$0x7] =	wrdreg s31;
	s6 =	sadd.s32 $0x400, s7;
	s7 =	sadd.s32 $0x1C00, s7  }
.LBB2_1:
0x14: {  	[tilespmem:s2], [sflag:$0x2] =	stream.linear.gather [hbm4b:s4+s2], $0x3400, $0x38;
	[tilespmem:$0x13400] =	vst v63  }
0x15: {  	_ =	swait.ge [sflag:s8], $0x3400  }
0x16: {  	[sflag:s8] =	ssyncset.done $0x0  }
0x17: {  	[sflag:s8] =	ssyncadd.s32 $0xFFFFCC00  }
0x18: {  	[tilespmem:s10], [sflag:$0x1] =	stream.indirect.gather [hbm4b:s3+s9], $0x40, s2, s9, $0xb8;
	[tilespmem:$0x13400] =	vst v63  }
0x19: {  	s20 =	simm.s32 $0x80  }
0x1a: {  	[tilespmem:s11], [sflag:$0x1] =	stream.indirect.gather [hbm4b:s3+s9], $0x40, s20, s9, $0xb8;
	[tilespmem:$0x13400] =	vst v63  }
0x1b: {  	s28 =	simm.s32 $0x100  }
0x1c: {  	[tilespmem:s12], [sflag:$0x1] =	stream.indirect.gather [hbm4b:s3+s9], $0x40, s28, s9, $0xb8;
	[tilespmem:$0x13400] =	vst v63  }
0x1d: {  	s29 =	simm.s32 $0x180  }
0x1e: {  	[tilespmem:s13], [sflag:$0x1] =	stream.indirect.gather [hbm4b:s3+s9], $0x40, s29, s9, $0xb8;
	[tilespmem:$0x13400] =	vst v63  }
0x1f: {  	s30 =	simm.s32 $0x200  }
0x20: {  	[tilespmem:s14], [sflag:$0x1] =	stream.indirect.gather [hbm4b:s3+s9], $0x40, s30, s9, $0xb8;
	[tilespmem:$0x13400] =	vst v63  }
0x21: {  	s31 =	simm.s32 $0x280  }
0x22: {  	[tilespmem:s15], [sflag:$0x1] =	stream.indirect.gather [hbm4b:s3+s9], $0x40, s31, s9, $0xb8;
	[tilespmem:$0x13400] =	vst v63  }
0x23: {  	s21 =	simm.s32 $0x300  }
0x24: {  	[tilespmem:s16], [sflag:$0x1] =	stream.indirect.gather [hbm4b:s3+s9], $0x40, s21, s9, $0xb8;
	[tilespmem:$0x13400] =	vst v63  }
0x25: {  	s22 =	simm.s32 $0x380  }
0x26: {  	[tilespmem:s17], [sflag:$0x1] =	stream.indirect.gather [hbm4b:s3+s9], $0x40, s22, s9, $0xb8;
	[tilespmem:$0x13400] =	vst v63  }
0x27: {  	_ =	swait.ge [sflag:s18], $0x2000  }
0x28: {  	[sflag:s18] =	ssyncset.done $0x0  }
0x29: {  	[sflag:s18] =	ssyncadd.s32 $0xFFFFE000  }
0x2a: {  	_ =	swait.ge [sflag:s18], $0x2000  }
0x2b: {  	[sflag:s18] =	ssyncset.done $0x0  }
0x2c: {  	[sflag:s18] =	ssyncadd.s32 $0xFFFFE000  }
0x2d: {  	_ =	swait.ge [sflag:s18], $0x2000  }
0x2e: {  	[sflag:s18] =	ssyncset.done $0x0  }
0x2f: {  	[sflag:s18] =	ssyncadd.s32 $0xFFFFE000  }
0x30: {  	_ =	swait.ge [sflag:s18], $0x2000  }
0x31: {  	[sflag:s18] =	ssyncset.done $0x0  }
0x32: {  	[sflag:s18] =	ssyncadd.s32 $0xFFFFE000  }
0x33: {  	_ =	swait.ge [sflag:s18], $0x2000  }
0x34: {  	[sflag:s18] =	ssyncset.done $0x0  }
0x35: {  	[sflag:s18] =	ssyncadd.s32 $0xFFFFE000  }
0x36: {  	_ =	swait.ge [sflag:s18], $0x2000  }
0x37: {  	[sflag:s18] =	ssyncset.done $0x0  }
0x38: {  	[sflag:s18] =	ssyncadd.s32 $0xFFFFE000  }
0x39: {  	_ =	swait.ge [sflag:s18], $0x2000  }
0x3a: {  	[sflag:s18] =	ssyncset.done $0x0  }
0x3b: {  	[sflag:s18] =	ssyncadd.s32 $0xFFFFE000  }
0x3c: {  	_ =	swait.ge [sflag:s18], $0x2000  }
0x3d: {  	s23 =	rddreg [dreg:$0x2];
	[sflag:s18] =	ssyncset.done $0x0  }
0x3e: {  	[sflag:s18] =	ssyncadd.s32 $0xFFFFE000;
	s20 =	sadd.s32 $0x0, s23  }
0x3f: {  	[hbm4b:s20+s2] =	stream.linear.scatter [tilespmem:s10], [sflag:$0x2], $0x2000, $0x38;
	[tilespmem:$0x13400] =	vst v63  }
0x40: {  	_ =	swait.ge [sflag:s8], $0x2000  }
0x41: {  	[sflag:s8] =	ssyncset.done $0x0  }
0x42: {  	s24 =	sadd.s32 $0x0, s6;
	[sflag:s8] =	ssyncadd.s32 $0xFFFFE000  }
0x43: {  	[hbm4b:s24+s2] =	stream.linear.scatter [tilespmem:s11], [sflag:$0x2], $0x2000, $0x38;
	[tilespmem:$0x13400] =	vst v63  }
0x44: {  	_ =	swait.ge [sflag:s8], $0x2000  }
0x45: {  	s25 =	rddreg [dreg:$0x7];
	[sflag:s8] =	ssyncset.done $0x0  }
0x46: {  	[sflag:s8] =	ssyncadd.s32 $0xFFFFE000;
	s20 =	sadd.s32 $0x0, s25  }
0x47: {  	[hbm4b:s20+s2] =	stream.linear.scatter [tilespmem:s12], [sflag:$0x2], $0x2000, $0x38;
	[tilespmem:$0x13400] =	vst v63  }
0x48: {  	_ =	swait.ge [sflag:s8], $0x2000  }
0x49: {  	s26 =	rddreg [dreg:$0x6];
	[sflag:s8] =	ssyncset.done $0x0  }
0x4a: {  	[sflag:s8] =	ssyncadd.s32 $0xFFFFE000;
	s20 =	sadd.s32 $0x0, s26  }
0x4b: {  	[hbm4b:s20+s2] =	stream.linear.scatter [tilespmem:s13], [sflag:$0x2], $0x2000, $0x38;
	[tilespmem:$0x13400] =	vst v63  }
0x4c: {  	_ =	swait.ge [sflag:s8], $0x2000  }
0x4d: {  	s28 =	rddreg [dreg:$0x5];
	[sflag:s8] =	ssyncset.done $0x0  }
0x4e: {  	[sflag:s8] =	ssyncadd.s32 $0xFFFFE000;
	s20 =	sadd.s32 $0x0, s28  }
0x4f: {  	[hbm4b:s20+s2] =	stream.linear.scatter [tilespmem:s14], [sflag:$0x2], $0x2000, $0x38;
	[tilespmem:$0x13400] =	vst v63  }
0x50: {  	_ =	swait.ge [sflag:s8], $0x2000  }
0x51: {  	s29 =	rddreg [dreg:$0x4];
	[sflag:s8] =	ssyncset.done $0x0  }
0x52: {  	[sflag:s8] =	ssyncadd.s32 $0xFFFFE000;
	s20 =	sadd.s32 $0x0, s29  }
0x53: {  	[hbm4b:s20+s2] =	stream.linear.scatter [tilespmem:s15], [sflag:$0x2], $0x2000, $0x38;
	[tilespmem:$0x13400] =	vst v63  }
0x54: {  	_ =	swait.ge [sflag:s8], $0x2000  }
0x55: {  	s30 =	rddreg [dreg:$0x3];
	[sflag:s8] =	ssyncset.done $0x0  }
0x56: {  	[sflag:s8] =	ssyncadd.s32 $0xFFFFE000;
	s20 =	sadd.s32 $0x0, s30  }
0x57: {  	[hbm4b:s20+s2] =	stream.linear.scatter [tilespmem:s16], [sflag:$0x2], $0x2000, $0x38;
	[tilespmem:$0x13400] =	vst v63  }
0x58: {  	_ =	swait.ge [sflag:s8], $0x2000  }
0x59: {  	[sflag:s8] =	ssyncset.done $0x0  }
0x5a: {  	s31 =	sadd.s32 $0x0, s7;
	[sflag:s8] =	ssyncadd.s32 $0xFFFFE000  }
0x5b: {  	[hbm4b:s31+s2] =	stream.linear.scatter [tilespmem:s17], [sflag:$0x2], $0x2000, $0x38;
	[tilespmem:$0x13400] =	vst v63  }
0x5c: {  	_ =	swait.ge [sflag:s8], $0x2000  }
0x5d: {  	s21 =	simm.s32 $0x0;
	s20 =	simm.s32 $0x2000;
	[sflag:s8] =	ssyncset.done $0x0  }
.LBB2_2:
0x5e: {  	[sflag:s8] =	ssyncadd.s32 $0xFFFFE000;
	s21 =	sadd.s32 $0x400, s21  }
0x5f: {  	[tilespmem:s10], [sflag:$0x1] =	stream.indirect.gather [hbm4b:s3+s9], $0x40, s21, s9, $0xb8;
	[tilespmem:$0x13400] =	vst v63  }
0x60: {  	s23 =	sadd.s32 $0x80, s21  }
0x61: {  	[tilespmem:s11], [sflag:$0x1] =	stream.indirect.gather [hbm4b:s3+s9], $0x40, s23, s9, $0xb8;
	[tilespmem:$0x13400] =	vst v63  }
0x62: {  	s25 =	sadd.s32 $0x100, s21  }
0x63: {  	[tilespmem:s12], [sflag:$0x1] =	stream.indirect.gather [hbm4b:s3+s9], $0x40, s25, s9, $0xb8;
	[tilespmem:$0x13400] =	vst v63  }
0x64: {  	s26 =	sadd.s32 $0x180, s21  }
0x65: {  	[tilespmem:s13], [sflag:$0x1] =	stream.indirect.gather [hbm4b:s3+s9], $0x40, s26, s9, $0xb8;
	[tilespmem:$0x13400] =	vst v63  }
0x66: {  	s28 =	sadd.s32 $0x200, s21  }
0x67: {  	[tilespmem:s14], [sflag:$0x1] =	stream.indirect.gather [hbm4b:s3+s9], $0x40, s28, s9, $0xb8;
	[tilespmem:$0x13400] =	vst v63  }
0x68: {  	s29 =	sadd.s32 $0x280, s21  }
0x69: {  	[tilespmem:s15], [sflag:$0x1] =	stream.indirect.gather [hbm4b:s3+s9], $0x40, s29, s9, $0xb8;
	[tilespmem:$0x13400] =	vst v63  }
0x6a: {  	s30 =	sadd.s32 $0x300, s21  }
0x6b: {  	[tilespmem:s16], [sflag:$0x1] =	stream.indirect.gather [hbm4b:s3+s9], $0x40, s30, s9, $0xb8;
	[tilespmem:$0x13400] =	vst v63  }
0x6c: {  	s31 =	sadd.s32 $0x380, s21  }
0x6d: {  	[tilespmem:s17], [sflag:$0x1] =	stream.indirect.gather [hbm4b:s3+s9], $0x40, s31, s9, $0xb8;
	[tilespmem:$0x13400] =	vst v63  }
0x6e: {  	_ =	swait.ge [sflag:s18], $0x2000  }
0x6f: {  	[sflag:s18] =	ssyncset.done $0x0  }
0x70: {  	[sflag:s18] =	ssyncadd.s32 $0xFFFFE000  }
0x71: {  	_ =	swait.ge [sflag:s18], $0x2000  }
0x72: {  	[sflag:s18] =	ssyncset.done $0x0  }
0x73: {  	[sflag:s18] =	ssyncadd.s32 $0xFFFFE000  }
0x74: {  	_ =	swait.ge [sflag:s18], $0x2000  }
0x75: {  	[sflag:s18] =	ssyncset.done $0x0  }
0x76: {  	[sflag:s18] =	ssyncadd.s32 $0xFFFFE000  }
0x77: {  	_ =	swait.ge [sflag:s18], $0x2000  }
0x78: {  	[sflag:s18] =	ssyncset.done $0x0  }
0x79: {  	[sflag:s18] =	ssyncadd.s32 $0xFFFFE000  }
0x7a: {  	_ =	swait.ge [sflag:s18], $0x2000  }
0x7b: {  	[sflag:s18] =	ssyncset.done $0x0  }
0x7c: {  	[sflag:s18] =	ssyncadd.s32 $0xFFFFE000  }
0x7d: {  	_ =	swait.ge [sflag:s18], $0x2000  }
0x7e: {  	[sflag:s18] =	ssyncset.done $0x0  }
0x7f: {  	[sflag:s18] =	ssyncadd.s32 $0xFFFFE000  }
0x80: {  	_ =	swait.ge [sflag:s18], $0x2000  }
0x81: {  	[sflag:s18] =	ssyncset.done $0x0  }
0x82: {  	[sflag:s18] =	ssyncadd.s32 $0xFFFFE000  }
0x83: {  	_ =	swait.ge [sflag:s18], $0x2000  }
0x84: {  	s22 =	smov.u32 s20;
	s24 =	rddreg [dreg:$0x2];
	[sflag:s18] =	ssyncset.done $0x0  }
0x85: {  	[sflag:s18] =	ssyncadd.s32 $0xFFFFE000;
	s23 =	sadd.s32 s22, s24  }
0x86: {  	[hbm4b:s23+s2] =	stream.linear.scatter [tilespmem:s10], [sflag:$0x2], $0x2000, $0x38;
	[tilespmem:$0x13400] =	vst v63  }
0x87: {  	_ =	swait.ge [sflag:s8], $0x2000  }
0x88: {  	[sflag:s8] =	ssyncset.done $0x0  }
0x89: {  	s25 =	sadd.s32 s22, s6;
	[sflag:s8] =	ssyncadd.s32 $0xFFFFE000  }
0x8a: {  	[hbm4b:s25+s2] =	stream.linear.scatter [tilespmem:s11], [sflag:$0x2], $0x2000, $0x38;
	[tilespmem:$0x13400] =	vst v63  }
0x8b: {  	_ =	swait.ge [sflag:s8], $0x2000  }
0x8c: {  	s26 =	rddreg [dreg:$0x7];
	[sflag:s8] =	ssyncset.done $0x0  }
0x8d: {  	[sflag:s8] =	ssyncadd.s32 $0xFFFFE000;
	s23 =	sadd.s32 s22, s26  }
0x8e: {  	[hbm4b:s23+s2] =	stream.linear.scatter [tilespmem:s12], [sflag:$0x2], $0x2000, $0x38;
	[tilespmem:$0x13400] =	vst v63  }
0x8f: {  	_ =	swait.ge [sflag:s8], $0x2000  }
0x90: {  	s28 =	rddreg [dreg:$0x6];
	[sflag:s8] =	ssyncset.done $0x0  }
0x91: {  	[sflag:s8] =	ssyncadd.s32 $0xFFFFE000;
	s23 =	sadd.s32 s22, s28  }
0x92: {  	[hbm4b:s23+s2] =	stream.linear.scatter [tilespmem:s13], [sflag:$0x2], $0x2000, $0x38;
	[tilespmem:$0x13400] =	vst v63  }
0x93: {  	_ =	swait.ge [sflag:s8], $0x2000  }
0x94: {  	s29 =	rddreg [dreg:$0x5];
	[sflag:s8] =	ssyncset.done $0x0  }
0x95: {  	[sflag:s8] =	ssyncadd.s32 $0xFFFFE000;
	s23 =	sadd.s32 s22, s29  }
0x96: {  	[hbm4b:s23+s2] =	stream.linear.scatter [tilespmem:s14], [sflag:$0x2], $0x2000, $0x38;
	[tilespmem:$0x13400] =	vst v63  }
0x97: {  	_ =	swait.ge [sflag:s8], $0x2000  }
0x98: {  	s30 =	rddreg [dreg:$0x4];
	[sflag:s8] =	ssyncset.done $0x0  }
0x99: {  	[sflag:s8] =	ssyncadd.s32 $0xFFFFE000;
	s23 =	sadd.s32 s22, s30  }
0x9a: {  	[hbm4b:s23+s2] =	stream.linear.scatter [tilespmem:s15], [sflag:$0x2], $0x2000, $0x38;
	[tilespmem:$0x13400] =	vst v63  }
0x9b: {  	_ =	swait.ge [sflag:s8], $0x2000  }
0x9c: {  	s31 =	rddreg [dreg:$0x3];
	[sflag:s8] =	ssyncset.done $0x0  }
0x9d: {  	[sflag:s8] =	ssyncadd.s32 $0xFFFFE000;
	s23 =	sadd.s32 s22, s31  }
0x9e: {  	[hbm4b:s23+s2] =	stream.linear.scatter [tilespmem:s16], [sflag:$0x2], $0x2000, $0x38;
	[tilespmem:$0x13400] =	vst v63  }
0x9f: {  	p0 =	sne.s32 s20, $0x18000;
	_ =	swait.ge [sflag:s8], $0x2000  }
.Ltmp0:
0xa0: {  	[sflag:s8] =	ssyncset.done $0x0;
	(pc) =	sbr.rel @p0 .LBB2_2-.Ltmp0, $4  }
0xa1: {  	s22 =	sadd.s32 s22, s7;
	[sflag:s8] =	ssyncadd.s32 $0xFFFFE000  }
0xa2: {  	[hbm4b:s22+s2] =	stream.linear.scatter [tilespmem:s17], [sflag:$0x2], $0x2000, $0x38;
	[tilespmem:$0x13400] =	vst v63  }
0xa3: {  	_ =	swait.ge [sflag:s8], $0x2000  }
0xa4: {  	s20 =	sadd.s32 $0x2000, s20;
	[sflag:s8] =	ssyncset.done $0x0  }
0xa5: {  	s19 =	sadd.s32 $0x1, s19  }
0xa6: {  	p0 =	sne.s32 s19, s5  }
.Ltmp1:
0xa7: {  	_ = 	snop;
	(pc) =	sbr.rel @p0 .LBB2_1-.Ltmp1, $2  }
0xa8: {  	_ =	sdelay $0x2  }
0xa9: {  	[sflag:s8] =	ssyncadd.s32 $0xFFFFE000  }
0xaa: {  	_ =	sfence.sel $0x180000  }
0xab: {  	[bflag:$0x0] =	sbarrier.arrive $0xFFFF  }
0xac: {  	p0 =	sne.s32 s0, $0x0;
	_ =	strace $0x90000047  }
0xad: {  	s0 =	sadd.s32 @!p0 $0x100000, s1;
	[bflag:$0x2] =	sbarrier.arrive $0xFFFF  }
0xae: {  	[sflag:s0] =	ssyncadd.tile.s32 @!p0 $0x1;
	_ =	shalt  }
.Lfunc_end2:
_tile_overlayer_lowered:
.L_overlay_start_2:
0xaf: {  	(tag) =	ssettag $0x2  }
0xb0: {  	s0 =	rddreg [dreg:$0x0];
	s2 =	stileid.u32  }
0xb1: {  	s1 =	rddreg [dreg:$0x1];
	p0 =	sne.s32 s2, $0x0  }
0xb2: {  	s3 =	rddreg [dreg:$0x2];
	[bflag:$0x3] =	sbarrier.arrive $0xFFFF;
	s2 =	simm.s32 @!p0 $0x1C02  }
0xb3: {  	[timem:s3], [sflag:s2] =	dma.local @!p0 [hbm:s0], s1  }
0xb4: {  	s0 =	simm.s32 @!p0 $0x2  }
0xb5: {  	_ =	swait.ge @!p0 [sflag:s0], s1  }
0xb6: {  	s1 =	ssub.s32 @!p0 $0x0, s1;
	[sflag:s0] =	ssyncset.done @!p0 $0x0  }
0xb7: {  	[sflag:s0] =	ssyncadd.s32 @!p0 s1  }
0xb8: {  	[bflag:$0x3] =	sbarrier.arrive $0xFFFF  }
0xb9: {  	_ =	shalt  }

</sc_bundles>
